<compile_context>
chip_gen: v7x
topology: tpu7x:2x2x1
jax: 0.10.2.dev20260603
libtpu: 0.0.44.dev20260713+nightly
codegen_flags: <defaults>
</compile_context>

<pallas_src>
import jax
import jax.numpy as jnp
from jax import lax
from jax.experimental import pallas as pl
from jax.experimental.pallas import tpu as pltpu
from jax.experimental.pallas import tpu_sc as plsc

BATCH = 4096
SEQ = 200
EMBED_DIM = 64
N_TOKENS = 20
LANES = 16

NUM_CORES = 2
NUM_SUBCORES = 16
NUM_WORKERS = NUM_CORES * NUM_SUBCORES
ROWS_PER_WORKER = BATCH // NUM_WORKERS

COL0 = 16
TOK_W = SEQ - COL0
SPLIT0 = 96
SPLIT1 = TOK_W - SPLIT0
NBUF = 4
LOOKAHEAD = 2


def _body(tokens_h, wte_h, learned_h, out_h, tok_v, lv, *bufs):
  stages = bufs[:NBUF]
  gsems = bufs[NBUF:2 * NBUF]
  osems = bufs[2 * NBUF:]

  wid = lax.axis_index("s") * NUM_CORES + lax.axis_index("c")
  base = wid * ROWS_PER_WORKER

  pltpu.sync_copy(
      tokens_h.at[pl.ds(base, ROWS_PER_WORKER), pl.ds(COL0, TOK_W)], tok_v)
  pltpu.sync_copy(learned_h.at[pl.ds(COL0, N_TOKENS - COL0)], lv)
  patch = [[lv[k, pl.ds(c * LANES, LANES)] for c in range(EMBED_DIM // LANES)]
           for k in range(N_TOKENS - COL0)]

  for st in stages:
    pltpu.sync_copy(learned_h.at[pl.ds(0, COL0)], st.at[pl.ds(0, COL0)])

  def issue_gathers(r, st, gsem):
    pltpu.async_copy(
        wte_h.at[tok_v.at[r, pl.ds(0, SPLIT0)]],
        st.at[pl.ds(COL0, SPLIT0)], gsem)
    pltpu.async_copy(
        wte_h.at[tok_v.at[r, pl.ds(SPLIT0, SPLIT1)]],
        st.at[pl.ds(COL0 + SPLIT0, SPLIT1)], gsem)

  def drain_gathers(st, gsem):
    pltpu.make_async_copy(
        wte_h.at[pl.ds(0, SPLIT0)], st.at[pl.ds(COL0, SPLIT0)], gsem).wait()
    pltpu.make_async_copy(
        wte_h.at[pl.ds(0, SPLIT1)],
        st.at[pl.ds(COL0 + SPLIT0, SPLIT1)], gsem).wait()

  for r0 in range(LOOKAHEAD):
    issue_gathers(r0, stages[r0], gsems[r0])

  def loop_body(i0, carry):
    for p in range(NBUF):
      r = i0 * NBUF + p
      st, gsem, osem = stages[p], gsems[p], osems[p]
      drain_gathers(st, gsem)
      for k in range(N_TOKENS - COL0):
        for c in range(EMBED_DIM // LANES):
          st[COL0 + k, pl.ds(c * LANES, LANES)] = patch[k][c]
      pltpu.async_copy(st, out_h.at[base + r], osem)

      pn = (p + LOOKAHEAD) % NBUF
      stn, gsemn, osemn = stages[pn], gsems[pn], osems[pn]

      @pl.when(r + LOOKAHEAD < ROWS_PER_WORKER)
      def _ahead():
        @pl.when(r >= NBUF - LOOKAHEAD)
        def _reclaim():
          pltpu.make_async_copy(stn, out_h.at[base], osemn).wait()
        issue_gathers(r + LOOKAHEAD, stn, gsemn)
    return carry

  lax.fori_loop(0, ROWS_PER_WORKER // NBUF, loop_body, 0)

  for p in range(NBUF):
    pltpu.make_async_copy(stages[p], out_h.at[base], osems[p]).wait()


@jax.jit
def _run(tokens, wte_weight, learned_embedding):
  mesh = plsc.VectorSubcoreMesh(
      core_axis_name="c", subcore_axis_name="s",
      num_cores=NUM_CORES, num_subcores=NUM_SUBCORES)
  return pl.kernel(
      _body,
      out_type=jax.ShapeDtypeStruct((BATCH, SEQ, EMBED_DIM), jnp.float32),
      mesh=mesh,
      compiler_params=pltpu.CompilerParams(use_tc_tiling_on_sc=False),
      scratch_types=(
          [pltpu.VMEM((ROWS_PER_WORKER, TOK_W), jnp.int32),
           pltpu.VMEM((N_TOKENS - COL0, EMBED_DIM), jnp.float32)] +
          [pltpu.VMEM((SEQ, EMBED_DIM), jnp.float32)] * NBUF +
          [pltpu.SemaphoreType.DMA] * (2 * NBUF)
      ),
  )(tokens, wte_weight, learned_embedding)


def kernel(tokens, wte_weight, learned_embedding):
  return _run(tokens.astype(jnp.int32), wte_weight, learned_embedding)

# --- scband reference (transcript-rebuilt; emitter-appended) ---
"""Pipeline reference for scband-promptembedding-9431748182344 (READ-ONLY COPY).

The authoritative reference and input builder live on the scoring server;
editing this copy changes nothing except your own understanding.
"""

import jax, jax.numpy as jnp
import numpy as np

VOCAB = 100000
EMBED_DIM = 64
BATCH = 4096
SEQ = 200
N_TOKENS = 20


def setup_inputs(seed: int = 0) -> dict:
    key = jax.random.key(seed)
    k_tok, k_wte = jax.random.split(key)
    tokens = jax.random.randint(k_tok, (BATCH, SEQ), 0, VOCAB, dtype=jnp.int64 if jax.config.jax_enable_x64 else jnp.int32)
    wte_weight = jax.random.normal(k_wte, (VOCAB, EMBED_DIM), dtype=jnp.float32)
    # initialize_from_vocab=True: learned prompt embedding is a clone of first n_tokens rows
    learned_embedding = wte_weight[:N_TOKENS]
    return {"tokens": tokens, "wte_weight": wte_weight, "learned_embedding": learned_embedding}


def reference(tokens, wte_weight, learned_embedding):
    # input_embedding = self.wte(tokens[:, self.n_tokens:])
    input_embedding = jnp.take(wte_weight, tokens[:, N_TOKENS:], axis=0)  # [B, SEQ-n_tokens, D]
    # learned_embedding.repeat(B, 1, 1)
    b = input_embedding.shape[0]
    learned = jnp.broadcast_to(learned_embedding[None, :, :], (b, N_TOKENS, EMBED_DIM))
    # torch.cat([learned_embedding, input_embedding], 1)
    return jnp.concatenate([learned, input_embedding], axis=1)  # [B, SEQ, D]

if __name__ == "__main__":
    import jax
    _d = setup_inputs()
    print(jax.jit(kernel)(*tuple(_d.values())))

</pallas_src>

<mosaic_0001>
#map = affine_map<(d0, d1) -> (0, 0)>
#map1 = affine_map<(d0, d1) -> (0, 0, 0)>
module attributes {stable_mosaic.version = 14 : i64} {
  func.func @_body(%arg0: i32, %arg1: i32, %arg2: memref<4096x200xi32, #tpu.memory_space<hbm>>, %arg3: memref<100000x64xf32, #tpu.memory_space<hbm>>, %arg4: memref<20x64xf32, #tpu.memory_space<hbm>>, %arg5: memref<4096x200x64xf32, #tpu.memory_space<hbm>>, %arg6: memref<128x184xi32, #tpu.memory_space<vmem>>, %arg7: memref<4x64xf32, #tpu.memory_space<vmem>>, %arg8: memref<200x64xf32, #tpu.memory_space<vmem>>, %arg9: memref<200x64xf32, #tpu.memory_space<vmem>>, %arg10: memref<200x64xf32, #tpu.memory_space<vmem>>, %arg11: memref<200x64xf32, #tpu.memory_space<vmem>>, %arg12: memref<!tpu.dma_semaphore, #tpu.memory_space<semaphore_mem>>, %arg13: memref<!tpu.dma_semaphore, #tpu.memory_space<semaphore_mem>>, %arg14: memref<!tpu.dma_semaphore, #tpu.memory_space<semaphore_mem>>, %arg15: memref<!tpu.dma_semaphore, #tpu.memory_space<semaphore_mem>>, %arg16: memref<!tpu.dma_semaphore, #tpu.memory_space<semaphore_mem>>, %arg17: memref<!tpu.dma_semaphore, #tpu.memory_space<semaphore_mem>>, %arg18: memref<!tpu.dma_semaphore, #tpu.memory_space<semaphore_mem>>, %arg19: memref<!tpu.dma_semaphore, #tpu.memory_space<semaphore_mem>>) attributes {dimension_semantics = [#tpu.dimension_semantics<core_parallel>, #tpu.dimension_semantics<subcore_parallel>], iteration_bounds = array<i64: 2, 16>, scalar_prefetch = 0 : i64, scratch_operands = 14 : i64, tpu.core_type = #tpu.core_type<sc_vector_subcore>, window_params = [{transform_indices = #map}, {transform_indices = #map}, {transform_indices = #map}, {transform_indices = #map1}]} {
    %mul3A = arith.constant 2 : i32
    %mul3A_0 = arith.muli %arg1, %mul3A : i32
    %add3A = arith.addi %mul3A_0, %arg0 : i32
    %mul3A_1 = arith.constant 128 : i32
    %mul3A_2 = arith.muli %add3A, %mul3A_1 : i32
    "tpu.region"() ({
      %run_scoped3A = tpu.sem_alloc : memref<!tpu.dma_semaphore, #tpu.memory_space<semaphore_mem>>
      %dma_start3A_157 = arith.constant 16 : i32
      %dma_start3A_158 = tpu.memref_slice %arg2[%mul3A_2, %dma_start3A_157] : memref<4096x200xi32, #tpu.memory_space<hbm>> -> memref<128x184xi32, #tpu.memory_space<hbm>>
      %dma_start3A_159 = arith.constant 16 : i32
      %dma_start3A_160 = tpu.memref_slice %arg2[%mul3A_2, %dma_start3A_159] : memref<4096x200xi32, #tpu.memory_space<hbm>> -> memref<128x184xi32, #tpu.memory_space<hbm>>
      tpu.enqueue_dma source(%dma_start3A_160 : memref<128x184xi32, #tpu.memory_space<hbm>>) target(%arg6 : memref<128x184xi32, #tpu.memory_space<vmem>>) target_semaphore(%run_scoped3A : memref<!tpu.dma_semaphore, #tpu.memory_space<semaphore_mem>>)
      %dma_wait3A_161 = arith.constant 16 : i32
      %dma_wait3A_162 = tpu.memref_slice %arg2[%mul3A_2, %dma_wait3A_161] : memref<4096x200xi32, #tpu.memory_space<hbm>> -> memref<128x184xi32, #tpu.memory_space<hbm>>
      %dma_wait3A_163 = arith.constant 16 : i32
      %dma_wait3A_164 = tpu.memref_slice %arg2[%mul3A_2, %dma_wait3A_163] : memref<4096x200xi32, #tpu.memory_space<hbm>> -> memref<128x184xi32, #tpu.memory_space<hbm>>
      tpu.wait_dma2 semaphore(%run_scoped3A : memref<!tpu.dma_semaphore, #tpu.memory_space<semaphore_mem>>) src(%dma_wait3A_164 : memref<128x184xi32, #tpu.memory_space<hbm>>) dst(%arg6 : memref<128x184xi32, #tpu.memory_space<vmem>>)
      tpu.yield
    }) : () -> ()
    "tpu.region"() ({
      %run_scoped3A = tpu.sem_alloc : memref<!tpu.dma_semaphore, #tpu.memory_space<semaphore_mem>>
      %dma_start3A_157 = arith.constant 16 : i32
      %dma_start3A_158 = arith.constant 0 : i32
      %dma_start3A_159 = tpu.memref_slice %arg4[%dma_start3A_157, %dma_start3A_158] : memref<20x64xf32, #tpu.memory_space<hbm>> -> memref<4x64xf32, #tpu.memory_space<hbm>>
      %dma_start3A_160 = arith.constant 16 : i32
      %dma_start3A_161 = arith.constant 0 : i32
      %dma_start3A_162 = tpu.memref_slice %arg4[%dma_start3A_160, %dma_start3A_161] : memref<20x64xf32, #tpu.memory_space<hbm>> -> memref<4x64xf32, #tpu.memory_space<hbm>>
      tpu.enqueue_dma source(%dma_start3A_162 : memref<4x64xf32, #tpu.memory_space<hbm>>) target(%arg7 : memref<4x64xf32, #tpu.memory_space<vmem>>) target_semaphore(%run_scoped3A : memref<!tpu.dma_semaphore, #tpu.memory_space<semaphore_mem>>)
      %dma_wait3A_163 = arith.constant 16 : i32
      %dma_wait3A_164 = arith.constant 0 : i32
      %dma_wait3A_165 = tpu.memref_slice %arg4[%dma_wait3A_163, %dma_wait3A_164] : memref<20x64xf32, #tpu.memory_space<hbm>> -> memref<4x64xf32, #tpu.memory_space<hbm>>
      %dma_wait3A_166 = arith.constant 16 : i32
      %dma_wait3A_167 = arith.constant 0 : i32
      %dma_wait3A_168 = tpu.memref_slice %arg4[%dma_wait3A_166, %dma_wait3A_167] : memref<20x64xf32, #tpu.memory_space<hbm>> -> memref<4x64xf32, #tpu.memory_space<hbm>>
      tpu.wait_dma2 semaphore(%run_scoped3A : memref<!tpu.dma_semaphore, #tpu.memory_space<semaphore_mem>>) src(%dma_wait3A_168 : memref<4x64xf32, #tpu.memory_space<hbm>>) dst(%arg7 : memref<4x64xf32, #tpu.memory_space<vmem>>)
      tpu.yield
    }) : () -> ()
    %get3A = arith.constant 0 : i32
    %get3A_3 = arith.index_cast %get3A : i32 to index
    %get3A_4 = arith.constant 0 : index
    %get3A_5 = tpu.vector_load %arg7[%get3A_3, %get3A_4] {strides = array<i32>} : memref<4x64xf32, #tpu.memory_space<vmem>>, vector<1x16xf32>,
    %get3A_6 = vector.shape_cast %get3A_5 : vector<1x16xf32> to vector<16xf32>
    %get3A_7 = arith.constant 0 : i32
    %get3A_8 = arith.index_cast %get3A_7 : i32 to index
    %get3A_9 = arith.constant 16 : index
    %get3A_10 = tpu.vector_load %arg7[%get3A_8, %get3A_9] {strides = array<i32>} : memref<4x64xf32, #tpu.memory_space<vmem>>, vector<1x16xf32>,
    %get3A_11 = vector.shape_cast %get3A_10 : vector<1x16xf32> to vector<16xf32>
    %get3A_12 = arith.constant 0 : i32
    %get3A_13 = arith.index_cast %get3A_12 : i32 to index
    %get3A_14 = arith.constant 32 : index
    %get3A_15 = tpu.vector_load %arg7[%get3A_13, %get3A_14] {strides = array<i32>} : memref<4x64xf32, #tpu.memory_space<vmem>>, vector<1x16xf32>,
    %get3A_16 = vector.shape_cast %get3A_15 : vector<1x16xf32> to vector<16xf32>
    %get3A_17 = arith.constant 0 : i32
    %get3A_18 = arith.index_cast %get3A_17 : i32 to index
    %get3A_19 = arith.constant 48 : index
    %get3A_20 = tpu.vector_load %arg7[%get3A_18, %get3A_19] {strides = array<i32>} : memref<4x64xf32, #tpu.memory_space<vmem>>, vector<1x16xf32>,
    %get3A_21 = vector.shape_cast %get3A_20 : vector<1x16xf32> to vector<16xf32>
    %get3A_22 = arith.constant 1 : i32
    %get3A_23 = arith.index_cast %get3A_22 : i32 to index
    %get3A_24 = arith.constant 0 : index
    %get3A_25 = tpu.vector_load %arg7[%get3A_23, %get3A_24] {strides = array<i32>} : memref<4x64xf32, #tpu.memory_space<vmem>>, vector<1x16xf32>,
    %get3A_26 = vector.shape_cast %get3A_25 : vector<1x16xf32> to vector<16xf32>
    %get3A_27 = arith.constant 1 : i32
    %get3A_28 = arith.index_cast %get3A_27 : i32 to index
    %get3A_29 = arith.constant 16 : index
    %get3A_30 = tpu.vector_load %arg7[%get3A_28, %get3A_29] {strides = array<i32>} : memref<4x64xf32, #tpu.memory_space<vmem>>, vector<1x16xf32>,
    %get3A_31 = vector.shape_cast %get3A_30 : vector<1x16xf32> to vector<16xf32>
    %get3A_32 = arith.constant 1 : i32
    %get3A_33 = arith.index_cast %get3A_32 : i32 to index
    %get3A_34 = arith.constant 32 : index
    %get3A_35 = tpu.vector_load %arg7[%get3A_33, %get3A_34] {strides = array<i32>} : memref<4x64xf32, #tpu.memory_space<vmem>>, vector<1x16xf32>,
    %get3A_36 = vector.shape_cast %get3A_35 : vector<1x16xf32> to vector<16xf32>
    %get3A_37 = arith.constant 1 : i32
    %get3A_38 = arith.index_cast %get3A_37 : i32 to index
    %get3A_39 = arith.constant 48 : index
    %get3A_40 = tpu.vector_load %arg7[%get3A_38, %get3A_39] {strides = array<i32>} : memref<4x64xf32, #tpu.memory_space<vmem>>, vector<1x16xf32>,
    %get3A_41 = vector.shape_cast %get3A_40 : vector<1x16xf32> to vector<16xf32>
    %get3A_42 = arith.constant 2 : i32
    %get3A_43 = arith.index_cast %get3A_42 : i32 to index
    %get3A_44 = arith.constant 0 : index
    %get3A_45 = tpu.vector_load %arg7[%get3A_43, %get3A_44] {strides = array<i32>} : memref<4x64xf32, #tpu.memory_space<vmem>>, vector<1x16xf32>,
    %get3A_46 = vector.shape_cast %get3A_45 : vector<1x16xf32> to vector<16xf32>
    %get3A_47 = arith.constant 2 : i32
    %get3A_48 = arith.index_cast %get3A_47 : i32 to index
    %get3A_49 = arith.constant 16 : index
    %get3A_50 = tpu.vector_load %arg7[%get3A_48, %get3A_49] {strides = array<i32>} : memref<4x64xf32, #tpu.memory_space<vmem>>, vector<1x16xf32>,
    %get3A_51 = vector.shape_cast %get3A_50 : vector<1x16xf32> to vector<16xf32>
    %get3A_52 = arith.constant 2 : i32
    %get3A_53 = arith.index_cast %get3A_52 : i32 to index
    %get3A_54 = arith.constant 32 : index
    %get3A_55 = tpu.vector_load %arg7[%get3A_53, %get3A_54] {strides = array<i32>} : memref<4x64xf32, #tpu.memory_space<vmem>>, vector<1x16xf32>,
    %get3A_56 = vector.shape_cast %get3A_55 : vector<1x16xf32> to vector<16xf32>
    %get3A_57 = arith.constant 2 : i32
    %get3A_58 = arith.index_cast %get3A_57 : i32 to index
    %get3A_59 = arith.constant 48 : index
    %get3A_60 = tpu.vector_load %arg7[%get3A_58, %get3A_59] {strides = array<i32>} : memref<4x64xf32, #tpu.memory_space<vmem>>, vector<1x16xf32>,
    %get3A_61 = vector.shape_cast %get3A_60 : vector<1x16xf32> to vector<16xf32>
    %get3A_62 = arith.constant 3 : i32
    %get3A_63 = arith.index_cast %get3A_62 : i32 to index
    %get3A_64 = arith.constant 0 : index
    %get3A_65 = tpu.vector_load %arg7[%get3A_63, %get3A_64] {strides = array<i32>} : memref<4x64xf32, #tpu.memory_space<vmem>>, vector<1x16xf32>,
    %get3A_66 = vector.shape_cast %get3A_65 : vector<1x16xf32> to vector<16xf32>
    %get3A_67 = arith.constant 3 : i32
    %get3A_68 = arith.index_cast %get3A_67 : i32 to index
    %get3A_69 = arith.constant 16 : index
    %get3A_70 = tpu.vector_load %arg7[%get3A_68, %get3A_69] {strides = array<i32>} : memref<4x64xf32, #tpu.memory_space<vmem>>, vector<1x16xf32>,
    %get3A_71 = vector.shape_cast %get3A_70 : vector<1x16xf32> to vector<16xf32>
    %get3A_72 = arith.constant 3 : i32
    %get3A_73 = arith.index_cast %get3A_72 : i32 to index
    %get3A_74 = arith.constant 32 : index
    %get3A_75 = tpu.vector_load %arg7[%get3A_73, %get3A_74] {strides = array<i32>} : memref<4x64xf32, #tpu.memory_space<vmem>>, vector<1x16xf32>,
    %get3A_76 = vector.shape_cast %get3A_75 : vector<1x16xf32> to vector<16xf32>
    %get3A_77 = arith.constant 3 : i32
    %get3A_78 = arith.index_cast %get3A_77 : i32 to index
    %get3A_79 = arith.constant 48 : index
    %get3A_80 = tpu.vector_load %arg7[%get3A_78, %get3A_79] {strides = array<i32>} : memref<4x64xf32, #tpu.memory_space<vmem>>, vector<1x16xf32>,
    %get3A_81 = vector.shape_cast %get3A_80 : vector<1x16xf32> to vector<16xf32>
    "tpu.region"() ({
      %run_scoped3A = tpu.sem_alloc : memref<!tpu.dma_semaphore, #tpu.memory_space<semaphore_mem>>
      %dma_start3A_157 = arith.constant 0 : i32
      %dma_start3A_158 = arith.constant 0 : i32
      %dma_start3A_159 = tpu.memref_slice %arg8[%dma_start3A_157, %dma_start3A_158] : memref<200x64xf32, #tpu.memory_space<vmem>> -> memref<16x64xf32, #tpu.memory_space<vmem>>
      %dma_start3A_160 = arith.constant 0 : i32
      %dma_start3A_161 = arith.constant 0 : i32
      %dma_start3A_162 = tpu.memref_slice %arg4[%dma_start3A_160, %dma_start3A_161] : memref<20x64xf32, #tpu.memory_space<hbm>> -> memref<16x64xf32, #tpu.memory_space<hbm>>
      %dma_start3A_163 = arith.constant 0 : i32
      %dma_start3A_164 = arith.constant 0 : i32
      %dma_start3A_165 = tpu.memref_slice %arg8[%dma_start3A_163, %dma_start3A_164] : memref<200x64xf32, #tpu.memory_space<vmem>> -> memref<16x64xf32, #tpu.memory_space<vmem>>
      %dma_start3A_166 = arith.constant 0 : i32
      %dma_start3A_167 = arith.constant 0 : i32
      %dma_start3A_168 = tpu.memref_slice %arg4[%dma_start3A_166, %dma_start3A_167] : memref<20x64xf32, #tpu.memory_space<hbm>> -> memref<16x64xf32, #tpu.memory_space<hbm>>
      tpu.enqueue_dma source(%dma_start3A_168 : memref<16x64xf32, #tpu.memory_space<hbm>>) target(%dma_start3A_165 : memref<16x64xf32, #tpu.memory_space<vmem>>) target_semaphore(%run_scoped3A : memref<!tpu.dma_semaphore, #tpu.memory_space<semaphore_mem>>)
      %dma_wait3A_169 = arith.constant 0 : i32
      %dma_wait3A_170 = arith.constant 0 : i32
      %dma_wait3A_171 = tpu.memref_slice %arg8[%dma_wait3A_169, %dma_wait3A_170] : memref<200x64xf32, #tpu.memory_space<vmem>> -> memref<16x64xf32, #tpu.memory_space<vmem>>
      %dma_wait3A_172 = arith.constant 0 : i32
      %dma_wait3A_173 = arith.constant 0 : i32
      %dma_wait3A_174 = tpu.memref_slice %arg4[%dma_wait3A_172, %dma_wait3A_173] : memref<20x64xf32, #tpu.memory_space<hbm>> -> memref<16x64xf32, #tpu.memory_space<hbm>>
      %dma_wait3A_175 = arith.constant 0 : i32
      %dma_wait3A_176 = arith.constant 0 : i32
      %dma_wait3A_177 = tpu.memref_slice %arg8[%dma_wait3A_175, %dma_wait3A_176] : memref<200x64xf32, #tpu.memory_space<vmem>> -> memref<16x64xf32, #tpu.memory_space<vmem>>
      %dma_wait3A_178 = arith.constant 0 : i32
      %dma_wait3A_179 = arith.constant 0 : i32
      %dma_wait3A_180 = tpu.memref_slice %arg4[%dma_wait3A_178, %dma_wait3A_179] : memref<20x64xf32, #tpu.memory_space<hbm>> -> memref<16x64xf32, #tpu.memory_space<hbm>>
      tpu.wait_dma2 semaphore(%run_scoped3A : memref<!tpu.dma_semaphore, #tpu.memory_space<semaphore_mem>>) src(%dma_wait3A_180 : memref<16x64xf32, #tpu.memory_space<hbm>>) dst(%dma_wait3A_177 : memref<16x64xf32, #tpu.memory_space<vmem>>)
      tpu.yield
    }) : () -> ()
    "tpu.region"() ({
      %run_scoped3A = tpu.sem_alloc : memref<!tpu.dma_semaphore, #tpu.memory_space<semaphore_mem>>
      %dma_start3A_157 = arith.constant 0 : i32
      %dma_start3A_158 = arith.constant 0 : i32
      %dma_start3A_159 = tpu.memref_slice %arg9[%dma_start3A_157, %dma_start3A_158] : memref<200x64xf32, #tpu.memory_space<vmem>> -> memref<16x64xf32, #tpu.memory_space<vmem>>
      %dma_start3A_160 = arith.constant 0 : i32
      %dma_start3A_161 = arith.constant 0 : i32
      %dma_start3A_162 = tpu.memref_slice %arg4[%dma_start3A_160, %dma_start3A_161] : memref<20x64xf32, #tpu.memory_space<hbm>> -> memref<16x64xf32, #tpu.memory_space<hbm>>
      %dma_start3A_163 = arith.constant 0 : i32
      %dma_start3A_164 = arith.constant 0 : i32
      %dma_start3A_165 = tpu.memref_slice %arg9[%dma_start3A_163, %dma_start3A_164] : memref<200x64xf32, #tpu.memory_space<vmem>> -> memref<16x64xf32, #tpu.memory_space<vmem>>
      %dma_start3A_166 = arith.constant 0 : i32
      %dma_start3A_167 = arith.constant 0 : i32
      %dma_start3A_168 = tpu.memref_slice %arg4[%dma_start3A_166, %dma_start3A_167] : memref<20x64xf32, #tpu.memory_space<hbm>> -> memref<16x64xf32, #tpu.memory_space<hbm>>
      tpu.enqueue_dma source(%dma_start3A_168 : memref<16x64xf32, #tpu.memory_space<hbm>>) target(%dma_start3A_165 : memref<16x64xf32, #tpu.memory_space<vmem>>) target_semaphore(%run_scoped3A : memref<!tpu.dma_semaphore, #tpu.memory_space<semaphore_mem>>)
      %dma_wait3A_169 = arith.constant 0 : i32
      %dma_wait3A_170 = arith.constant 0 : i32
      %dma_wait3A_171 = tpu.memref_slice %arg9[%dma_wait3A_169, %dma_wait3A_170] : memref<200x64xf32, #tpu.memory_space<vmem>> -> memref<16x64xf32, #tpu.memory_space<vmem>>
      %dma_wait3A_172 = arith.constant 0 : i32
      %dma_wait3A_173 = arith.constant 0 : i32
      %dma_wait3A_174 = tpu.memref_slice %arg4[%dma_wait3A_172, %dma_wait3A_173] : memref<20x64xf32, #tpu.memory_space<hbm>> -> memref<16x64xf32, #tpu.memory_space<hbm>>
      %dma_wait3A_175 = arith.constant 0 : i32
      %dma_wait3A_176 = arith.constant 0 : i32
      %dma_wait3A_177 = tpu.memref_slice %arg9[%dma_wait3A_175, %dma_wait3A_176] : memref<200x64xf32, #tpu.memory_space<vmem>> -> memref<16x64xf32, #tpu.memory_space<vmem>>
      %dma_wait3A_178 = arith.constant 0 : i32
      %dma_wait3A_179 = arith.constant 0 : i32
      %dma_wait3A_180 = tpu.memref_slice %arg4[%dma_wait3A_178, %dma_wait3A_179] : memref<20x64xf32, #tpu.memory_space<hbm>> -> memref<16x64xf32, #tpu.memory_space<hbm>>
      tpu.wait_dma2 semaphore(%run_scoped3A : memref<!tpu.dma_semaphore, #tpu.memory_space<semaphore_mem>>) src(%dma_wait3A_180 : memref<16x64xf32, #tpu.memory_space<hbm>>) dst(%dma_wait3A_177 : memref<16x64xf32, #tpu.memory_space<vmem>>)
      tpu.yield
    }) : () -> ()
    "tpu.region"() ({
      %run_scoped3A = tpu.sem_alloc : memref<!tpu.dma_semaphore, #tpu.memory_space<semaphore_mem>>
      %dma_start3A_157 = arith.constant 0 : i32
      %dma_start3A_158 = arith.constant 0 : i32
      %dma_start3A_159 = tpu.memref_slice %arg10[%dma_start3A_157, %dma_start3A_158] : memref<200x64xf32, #tpu.memory_space<vmem>> -> memref<16x64xf32, #tpu.memory_space<vmem>>
      %dma_start3A_160 = arith.constant 0 : i32
      %dma_start3A_161 = arith.constant 0 : i32
      %dma_start3A_162 = tpu.memref_slice %arg4[%dma_start3A_160, %dma_start3A_161] : memref<20x64xf32, #tpu.memory_space<hbm>> -> memref<16x64xf32, #tpu.memory_space<hbm>>
      %dma_start3A_163 = arith.constant 0 : i32
      %dma_start3A_164 = arith.constant 0 : i32
      %dma_start3A_165 = tpu.memref_slice %arg10[%dma_start3A_163, %dma_start3A_164] : memref<200x64xf32, #tpu.memory_space<vmem>> -> memref<16x64xf32, #tpu.memory_space<vmem>>
      %dma_start3A_166 = arith.constant 0 : i32
      %dma_start3A_167 = arith.constant 0 : i32
      %dma_start3A_168 = tpu.memref_slice %arg4[%dma_start3A_166, %dma_start3A_167] : memref<20x64xf32, #tpu.memory_space<hbm>> -> memref<16x64xf32, #tpu.memory_space<hbm>>
      tpu.enqueue_dma source(%dma_start3A_168 : memref<16x64xf32, #tpu.memory_space<hbm>>) target(%dma_start3A_165 : memref<16x64xf32, #tpu.memory_space<vmem>>) target_semaphore(%run_scoped3A : memref<!tpu.dma_semaphore, #tpu.memory_space<semaphore_mem>>)
      %dma_wait3A_169 = arith.constant 0 : i32
      %dma_wait3A_170 = arith.constant 0 : i32
      %dma_wait3A_171 = tpu.memref_slice %arg10[%dma_wait3A_169, %dma_wait3A_170] : memref<200x64xf32, #tpu.memory_space<vmem>> -> memref<16x64xf32, #tpu.memory_space<vmem>>
      %dma_wait3A_172 = arith.constant 0 : i32
      %dma_wait3A_173 = arith.constant 0 : i32
      %dma_wait3A_174 = tpu.memref_slice %arg4[%dma_wait3A_172, %dma_wait3A_173] : memref<20x64xf32, #tpu.memory_space<hbm>> -> memref<16x64xf32, #tpu.memory_space<hbm>>
      %dma_wait3A_175 = arith.constant 0 : i32
      %dma_wait3A_176 = arith.constant 0 : i32
      %dma_wait3A_177 = tpu.memref_slice %arg10[%dma_wait3A_175, %dma_wait3A_176] : memref<200x64xf32, #tpu.memory_space<vmem>> -> memref<16x64xf32, #tpu.memory_space<vmem>>
      %dma_wait3A_178 = arith.constant 0 : i32
      %dma_wait3A_179 = arith.constant 0 : i32
      %dma_wait3A_180 = tpu.memref_slice %arg4[%dma_wait3A_178, %dma_wait3A_179] : memref<20x64xf32, #tpu.memory_space<hbm>> -> memref<16x64xf32, #tpu.memory_space<hbm>>
      tpu.wait_dma2 semaphore(%run_scoped3A : memref<!tpu.dma_semaphore, #tpu.memory_space<semaphore_mem>>) src(%dma_wait3A_180 : memref<16x64xf32, #tpu.memory_space<hbm>>) dst(%dma_wait3A_177 : memref<16x64xf32, #tpu.memory_space<vmem>>)
      tpu.yield
    }) : () -> ()
    "tpu.region"() ({
      %run_scoped3A = tpu.sem_alloc : memref<!tpu.dma_semaphore, #tpu.memory_space<semaphore_mem>>
      %dma_start3A_157 = arith.constant 0 : i32
      %dma_start3A_158 = arith.constant 0 : i32
      %dma_start3A_159 = tpu.memref_slice %arg11[%dma_start3A_157, %dma_start3A_158] : memref<200x64xf32, #tpu.memory_space<vmem>> -> memref<16x64xf32, #tpu.memory_space<vmem>>
      %dma_start3A_160 = arith.constant 0 : i32
      %dma_start3A_161 = arith.constant 0 : i32
      %dma_start3A_162 = tpu.memref_slice %arg4[%dma_start3A_160, %dma_start3A_161] : memref<20x64xf32, #tpu.memory_space<hbm>> -> memref<16x64xf32, #tpu.memory_space<hbm>>
      %dma_start3A_163 = arith.constant 0 : i32
      %dma_start3A_164 = arith.constant 0 : i32
      %dma_start3A_165 = tpu.memref_slice %arg11[%dma_start3A_163, %dma_start3A_164] : memref<200x64xf32, #tpu.memory_space<vmem>> -> memref<16x64xf32, #tpu.memory_space<vmem>>
      %dma_start3A_166 = arith.constant 0 : i32
      %dma_start3A_167 = arith.constant 0 : i32
      %dma_start3A_168 = tpu.memref_slice %arg4[%dma_start3A_166, %dma_start3A_167] : memref<20x64xf32, #tpu.memory_space<hbm>> -> memref<16x64xf32, #tpu.memory_space<hbm>>
      tpu.enqueue_dma source(%dma_start3A_168 : memref<16x64xf32, #tpu.memory_space<hbm>>) target(%dma_start3A_165 : memref<16x64xf32, #tpu.memory_space<vmem>>) target_semaphore(%run_scoped3A : memref<!tpu.dma_semaphore, #tpu.memory_space<semaphore_mem>>)
      %dma_wait3A_169 = arith.constant 0 : i32
      %dma_wait3A_170 = arith.constant 0 : i32
      %dma_wait3A_171 = tpu.memref_slice %arg11[%dma_wait3A_169, %dma_wait3A_170] : memref<200x64xf32, #tpu.memory_space<vmem>> -> memref<16x64xf32, #tpu.memory_space<vmem>>
      %dma_wait3A_172 = arith.constant 0 : i32
      %dma_wait3A_173 = arith.constant 0 : i32
      %dma_wait3A_174 = tpu.memref_slice %arg4[%dma_wait3A_172, %dma_wait3A_173] : memref<20x64xf32, #tpu.memory_space<hbm>> -> memref<16x64xf32, #tpu.memory_space<hbm>>
      %dma_wait3A_175 = arith.constant 0 : i32
      %dma_wait3A_176 = arith.constant 0 : i32
      %dma_wait3A_177 = tpu.memref_slice %arg11[%dma_wait3A_175, %dma_wait3A_176] : memref<200x64xf32, #tpu.memory_space<vmem>> -> memref<16x64xf32, #tpu.memory_space<vmem>>
      %dma_wait3A_178 = arith.constant 0 : i32
      %dma_wait3A_179 = arith.constant 0 : i32
      %dma_wait3A_180 = tpu.memref_slice %arg4[%dma_wait3A_178, %dma_wait3A_179] : memref<20x64xf32, #tpu.memory_space<hbm>> -> memref<16x64xf32, #tpu.memory_space<hbm>>
      tpu.wait_dma2 semaphore(%run_scoped3A : memref<!tpu.dma_semaphore, #tpu.memory_space<semaphore_mem>>) src(%dma_wait3A_180 : memref<16x64xf32, #tpu.memory_space<hbm>>) dst(%dma_wait3A_177 : memref<16x64xf32, #tpu.memory_space<vmem>>)
      tpu.yield
    }) : () -> ()
    %dma_start3A = arith.constant 0 : i32
    %dma_start3A_82 = arith.constant 16 : i32
    %dma_start3A_83 = arith.constant 0 : i32
    %dma_start3A_84 = tpu.memref_slice %arg8[%dma_start3A_82, %dma_start3A_83] : memref<200x64xf32, #tpu.memory_space<vmem>> -> memref<96x64xf32, #tpu.memory_space<vmem>>
    %dma_start3A_85 = arith.constant 0 : i32
    %dma_start3A_86 = tpu.memref_slice %arg6[%dma_start3A, %dma_start3A_85] : memref<128x184xi32, #tpu.memory_space<vmem>> -> memref<1x96xi32, #tpu.memory_space<vmem>>
    %dma_start3A_87 = tpu.memref_squeeze %dma_start3A_86 : memref<1x96xi32, #tpu.memory_space<vmem>> -> memref<96xi32, #tpu.memory_space<vmem>>
    %dma_start3A_88 = arith.constant 0 : i32
    %dma_start3A_89 = arith.constant 0 : i32
    %dma_start3A_90 = tpu.memref_slice %arg3[%dma_start3A_88, %dma_start3A_89] : memref<100000x64xf32, #tpu.memory_space<hbm>> -> memref<100000x64xf32, #tpu.memory_space<hbm>>
    tpu.enqueue_indirect_dma source(%dma_start3A_90 : memref<100000x64xf32, #tpu.memory_space<hbm>>) target(%dma_start3A_84 : memref<96x64xf32, #tpu.memory_space<vmem>>) offsets(%dma_start3A_87 : memref<96xi32, #tpu.memory_space<vmem>>) semaphore(%arg12 : memref<!tpu.dma_semaphore, #tpu.memory_space<semaphore_mem>>)
    %dma_start3A_91 = arith.constant 0 : i32
    %dma_start3A_92 = arith.constant 112 : i32
    %dma_start3A_93 = arith.constant 0 : i32
    %dma_start3A_94 = tpu.memref_slice %arg8[%dma_start3A_92, %dma_start3A_93] : memref<200x64xf32, #tpu.memory_space<vmem>> -> memref<88x64xf32, #tpu.memory_space<vmem>>
    %dma_start3A_95 = arith.constant 96 : i32
    %dma_start3A_96 = tpu.memref_slice %arg6[%dma_start3A_91, %dma_start3A_95] : memref<128x184xi32, #tpu.memory_space<vmem>> -> memref<1x88xi32, #tpu.memory_space<vmem>>
    %dma_start3A_97 = tpu.memref_squeeze %dma_start3A_96 : memref<1x88xi32, #tpu.memory_space<vmem>> -> memref<88xi32, #tpu.memory_space<vmem>>
    %dma_start3A_98 = arith.constant 0 : i32
    %dma_start3A_99 = arith.constant 0 : i32
    %dma_start3A_100 = tpu.memref_slice %arg3[%dma_start3A_98, %dma_start3A_99] : memref<100000x64xf32, #tpu.memory_space<hbm>> -> memref<100000x64xf32, #tpu.memory_space<hbm>>
    tpu.enqueue_indirect_dma source(%dma_start3A_100 : memref<100000x64xf32, #tpu.memory_space<hbm>>) target(%dma_start3A_94 : memref<88x64xf32, #tpu.memory_space<vmem>>) offsets(%dma_start3A_97 : memref<88xi32, #tpu.memory_space<vmem>>) semaphore(%arg12 : memref<!tpu.dma_semaphore, #tpu.memory_space<semaphore_mem>>)
    %dma_start3A_101 = arith.constant 1 : i32
    %dma_start3A_102 = arith.constant 16 : i32
    %dma_start3A_103 = arith.constant 0 : i32
    %dma_start3A_104 = tpu.memref_slice %arg9[%dma_start3A_102, %dma_start3A_103] : memref<200x64xf32, #tpu.memory_space<vmem>> -> memref<96x64xf32, #tpu.memory_space<vmem>>
    %dma_start3A_105 = arith.constant 0 : i32
    %dma_start3A_106 = tpu.memref_slice %arg6[%dma_start3A_101, %dma_start3A_105] : memref<128x184xi32, #tpu.memory_space<vmem>> -> memref<1x96xi32, #tpu.memory_space<vmem>>
    %dma_start3A_107 = tpu.memref_squeeze %dma_start3A_106 : memref<1x96xi32, #tpu.memory_space<vmem>> -> memref<96xi32, #tpu.memory_space<vmem>>
    %dma_start3A_108 = arith.constant 0 : i32
    %dma_start3A_109 = arith.constant 0 : i32
    %dma_start3A_110 = tpu.memref_slice %arg3[%dma_start3A_108, %dma_start3A_109] : memref<100000x64xf32, #tpu.memory_space<hbm>> -> memref<100000x64xf32, #tpu.memory_space<hbm>>
    tpu.enqueue_indirect_dma source(%dma_start3A_110 : memref<100000x64xf32, #tpu.memory_space<hbm>>) target(%dma_start3A_104 : memref<96x64xf32, #tpu.memory_space<vmem>>) offsets(%dma_start3A_107 : memref<96xi32, #tpu.memory_space<vmem>>) semaphore(%arg13 : memref<!tpu.dma_semaphore, #tpu.memory_space<semaphore_mem>>)
    %dma_start3A_111 = arith.constant 1 : i32
    %dma_start3A_112 = arith.constant 112 : i32
    %dma_start3A_113 = arith.constant 0 : i32
    %dma_start3A_114 = tpu.memref_slice %arg9[%dma_start3A_112, %dma_start3A_113] : memref<200x64xf32, #tpu.memory_space<vmem>> -> memref<88x64xf32, #tpu.memory_space<vmem>>
    %dma_start3A_115 = arith.constant 96 : i32
    %dma_start3A_116 = tpu.memref_slice %arg6[%dma_start3A_111, %dma_start3A_115] : memref<128x184xi32, #tpu.memory_space<vmem>> -> memref<1x88xi32, #tpu.memory_space<vmem>>
    %dma_start3A_117 = tpu.memref_squeeze %dma_start3A_116 : memref<1x88xi32, #tpu.memory_space<vmem>> -> memref<88xi32, #tpu.memory_space<vmem>>
    %dma_start3A_118 = arith.constant 0 : i32
    %dma_start3A_119 = arith.constant 0 : i32
    %dma_start3A_120 = tpu.memref_slice %arg3[%dma_start3A_118, %dma_start3A_119] : memref<100000x64xf32, #tpu.memory_space<hbm>> -> memref<100000x64xf32, #tpu.memory_space<hbm>>
    tpu.enqueue_indirect_dma source(%dma_start3A_120 : memref<100000x64xf32, #tpu.memory_space<hbm>>) target(%dma_start3A_114 : memref<88x64xf32, #tpu.memory_space<vmem>>) offsets(%dma_start3A_117 : memref<88xi32, #tpu.memory_space<vmem>>) semaphore(%arg13 : memref<!tpu.dma_semaphore, #tpu.memory_space<semaphore_mem>>)
    %scan3A = arith.constant 0 : i32
    %scan3A_121 = arith.constant 0 : i32
    %scan3A_122 = arith.constant 32 : i32
    %scan3A_123 = arith.addi %scan3A_121, %scan3A_122 : i32
    %scan3A_124 = arith.constant 1 : i32
    scf.for %scan3A_157 = %scan3A_121 to %scan3A_123 step %scan3A_124  : i32 {
      %mul3A_158 = arith.constant 4 : i32
      %mul3A_159 = arith.muli %scan3A_157, %mul3A_158 : i32
      %add3A_160 = arith.constant 0 : i32
      %add3A_161 = arith.addi %mul3A_159, %add3A_160 : i32
      %dma_wait3A_162 = arith.constant 16 : i32
      %dma_wait3A_163 = arith.constant 0 : i32
      %dma_wait3A_164 = tpu.memref_slice %arg8[%dma_wait3A_162, %dma_wait3A_163] : memref<200x64xf32, #tpu.memory_space<vmem>> -> memref<96x64xf32, #tpu.memory_space<vmem>>
      %dma_wait3A_165 = arith.constant 0 : i32
      %dma_wait3A_166 = arith.constant 0 : i32
      %dma_wait3A_167 = tpu.memref_slice %arg3[%dma_wait3A_165, %dma_wait3A_166] : memref<100000x64xf32, #tpu.memory_space<hbm>> -> memref<96x64xf32, #tpu.memory_space<hbm>>
      %dma_wait3A_168 = arith.constant 16 : i32
      %dma_wait3A_169 = arith.constant 0 : i32
      %dma_wait3A_170 = tpu.memref_slice %arg8[%dma_wait3A_168, %dma_wait3A_169] : memref<200x64xf32, #tpu.memory_space<vmem>> -> memref<96x64xf32, #tpu.memory_space<vmem>>
      %dma_wait3A_171 = arith.constant 0 : i32
      %dma_wait3A_172 = arith.constant 0 : i32
      %dma_wait3A_173 = tpu.memref_slice %arg3[%dma_wait3A_171, %dma_wait3A_172] : memref<100000x64xf32, #tpu.memory_space<hbm>> -> memref<96x64xf32, #tpu.memory_space<hbm>>
      tpu.wait_dma2 semaphore(%arg12 : memref<!tpu.dma_semaphore, #tpu.memory_space<semaphore_mem>>) src(%dma_wait3A_173 : memref<96x64xf32, #tpu.memory_space<hbm>>) dst(%dma_wait3A_170 : memref<96x64xf32, #tpu.memory_space<vmem>>)
      %dma_wait3A_174 = arith.constant 112 : i32
      %dma_wait3A_175 = arith.constant 0 : i32
      %dma_wait3A_176 = tpu.memref_slice %arg8[%dma_wait3A_174, %dma_wait3A_175] : memref<200x64xf32, #tpu.memory_space<vmem>> -> memref<88x64xf32, #tpu.memory_space<vmem>>
      %dma_wait3A_177 = arith.constant 0 : i32
      %dma_wait3A_178 = arith.constant 0 : i32
      %dma_wait3A_179 = tpu.memref_slice %arg3[%dma_wait3A_177, %dma_wait3A_178] : memref<100000x64xf32, #tpu.memory_space<hbm>> -> memref<88x64xf32, #tpu.memory_space<hbm>>
      %dma_wait3A_180 = arith.constant 112 : i32
      %dma_wait3A_181 = arith.constant 0 : i32
      %dma_wait3A_182 = tpu.memref_slice %arg8[%dma_wait3A_180, %dma_wait3A_181] : memref<200x64xf32, #tpu.memory_space<vmem>> -> memref<88x64xf32, #tpu.memory_space<vmem>>
      %dma_wait3A_183 = arith.constant 0 : i32
      %dma_wait3A_184 = arith.constant 0 : i32
      %dma_wait3A_185 = tpu.memref_slice %arg3[%dma_wait3A_183, %dma_wait3A_184] : memref<100000x64xf32, #tpu.memory_space<hbm>> -> memref<88x64xf32, #tpu.memory_space<hbm>>
      tpu.wait_dma2 semaphore(%arg12 : memref<!tpu.dma_semaphore, #tpu.memory_space<semaphore_mem>>) src(%dma_wait3A_185 : memref<88x64xf32, #tpu.memory_space<hbm>>) dst(%dma_wait3A_182 : memref<88x64xf32, #tpu.memory_space<vmem>>)
      %swap3A = arith.constant 16 : i32
      %swap3A_186 = arith.index_cast %swap3A : i32 to index
      %swap3A_187 = arith.constant 0 : index
      %swap3A_188 = tpu.vector_load %arg8[%swap3A_186, %swap3A_187] {strides = array<i32>} : memref<200x64xf32, #tpu.memory_space<vmem>>, vector<1x16xf32>,
      %swap3A_189 = vector.shape_cast %swap3A_188 : vector<1x16xf32> to vector<16xf32>
      %swap3A_190 = vector.shape_cast %get3A_6 : vector<16xf32> to vector<1x16xf32>
      tpu.vector_store %arg8[%swap3A_186, %swap3A_187], %swap3A_190 {strides = array<i32>} : memref<200x64xf32, #tpu.memory_space<vmem>>, vector<1x16xf32>,
      %swap3A_191 = arith.constant 16 : i32
      %swap3A_192 = arith.index_cast %swap3A_191 : i32 to index
      %swap3A_193 = arith.constant 16 : index
      %swap3A_194 = tpu.vector_load %arg8[%swap3A_192, %swap3A_193] {strides = array<i32>} : memref<200x64xf32, #tpu.memory_space<vmem>>, vector<1x16xf32>,
      %swap3A_195 = vector.shape_cast %swap3A_194 : vector<1x16xf32> to vector<16xf32>
      %swap3A_196 = vector.shape_cast %get3A_11 : vector<16xf32> to vector<1x16xf32>
      tpu.vector_store %arg8[%swap3A_192, %swap3A_193], %swap3A_196 {strides = array<i32>} : memref<200x64xf32, #tpu.memory_space<vmem>>, vector<1x16xf32>,
      %swap3A_197 = arith.constant 16 : i32
      %swap3A_198 = arith.index_cast %swap3A_197 : i32 to index
      %swap3A_199 = arith.constant 32 : index
      %swap3A_200 = tpu.vector_load %arg8[%swap3A_198, %swap3A_199] {strides = array<i32>} : memref<200x64xf32, #tpu.memory_space<vmem>>, vector<1x16xf32>,
      %swap3A_201 = vector.shape_cast %swap3A_200 : vector<1x16xf32> to vector<16xf32>
      %swap3A_202 = vector.shape_cast %get3A_16 : vector<16xf32> to vector<1x16xf32>
      tpu.vector_store %arg8[%swap3A_198, %swap3A_199], %swap3A_202 {strides = array<i32>} : memref<200x64xf32, #tpu.memory_space<vmem>>, vector<1x16xf32>,
      %swap3A_203 = arith.constant 16 : i32
      %swap3A_204 = arith.index_cast %swap3A_203 : i32 to index
      %swap3A_205 = arith.constant 48 : index
      %swap3A_206 = tpu.vector_load %arg8[%swap3A_204, %swap3A_205] {strides = array<i32>} : memref<200x64xf32, #tpu.memory_space<vmem>>, vector<1x16xf32>,
      %swap3A_207 = vector.shape_cast %swap3A_206 : vector<1x16xf32> to vector<16xf32>
      %swap3A_208 = vector.shape_cast %get3A_21 : vector<16xf32> to vector<1x16xf32>
      tpu.vector_store %arg8[%swap3A_204, %swap3A_205], %swap3A_208 {strides = array<i32>} : memref<200x64xf32, #tpu.memory_space<vmem>>, vector<1x16xf32>,
      %swap3A_209 = arith.constant 17 : i32
      %swap3A_210 = arith.index_cast %swap3A_209 : i32 to index
      %swap3A_211 = arith.constant 0 : index
      %swap3A_212 = tpu.vector_load %arg8[%swap3A_210, %swap3A_211] {strides = array<i32>} : memref<200x64xf32, #tpu.memory_space<vmem>>, vector<1x16xf32>,
      %swap3A_213 = vector.shape_cast %swap3A_212 : vector<1x16xf32> to vector<16xf32>
      %swap3A_214 = vector.shape_cast %get3A_26 : vector<16xf32> to vector<1x16xf32>
      tpu.vector_store %arg8[%swap3A_210, %swap3A_211], %swap3A_214 {strides = array<i32>} : memref<200x64xf32, #tpu.memory_space<vmem>>, vector<1x16xf32>,
      %swap3A_215 = arith.constant 17 : i32
      %swap3A_216 = arith.index_cast %swap3A_215 : i32 to index
      %swap3A_217 = arith.constant 16 : index
      %swap3A_218 = tpu.vector_load %arg8[%swap3A_216, %swap3A_217] {strides = array<i32>} : memref<200x64xf32, #tpu.memory_space<vmem>>, vector<1x16xf32>,
      %swap3A_219 = vector.shape_cast %swap3A_218 : vector<1x16xf32> to vector<16xf32>
      %swap3A_220 = vector.shape_cast %get3A_31 : vector<16xf32> to vector<1x16xf32>
      tpu.vector_store %arg8[%swap3A_216, %swap3A_217], %swap3A_220 {strides = array<i32>} : memref<200x64xf32, #tpu.memory_space<vmem>>, vector<1x16xf32>,
      %swap3A_221 = arith.constant 17 : i32
      %swap3A_222 = arith.index_cast %swap3A_221 : i32 to index
      %swap3A_223 = arith.constant 32 : index
      %swap3A_224 = tpu.vector_load %arg8[%swap3A_222, %swap3A_223] {strides = array<i32>} : memref<200x64xf32, #tpu.memory_space<vmem>>, vector<1x16xf32>,
      %swap3A_225 = vector.shape_cast %swap3A_224 : vector<1x16xf32> to vector<16xf32>
      %swap3A_226 = vector.shape_cast %get3A_36 : vector<16xf32> to vector<1x16xf32>
      tpu.vector_store %arg8[%swap3A_222, %swap3A_223], %swap3A_226 {strides = array<i32>} : memref<200x64xf32, #tpu.memory_space<vmem>>, vector<1x16xf32>,
      %swap3A_227 = arith.constant 17 : i32
      %swap3A_228 = arith.index_cast %swap3A_227 : i32 to index
      %swap3A_229 = arith.constant 48 : index
      %swap3A_230 = tpu.vector_load %arg8[%swap3A_228, %swap3A_229] {strides = array<i32>} : memref<200x64xf32, #tpu.memory_space<vmem>>, vector<1x16xf32>,
      %swap3A_231 = vector.shape_cast %swap3A_230 : vector<1x16xf32> to vector<16xf32>
      %swap3A_232 = vector.shape_cast %get3A_41 : vector<16xf32> to vector<1x16xf32>
      tpu.vector_store %arg8[%swap3A_228, %swap3A_229], %swap3A_232 {strides = array<i32>} : memref<200x64xf32, #tpu.memory_space<vmem>>, vector<1x16xf32>,
      %swap3A_233 = arith.constant 18 : i32
      %swap3A_234 = arith.index_cast %swap3A_233 : i32 to index
      %swap3A_235 = arith.constant 0 : index
      %swap3A_236 = tpu.vector_load %arg8[%swap3A_234, %swap3A_235] {strides = array<i32>} : memref<200x64xf32, #tpu.memory_space<vmem>>, vector<1x16xf32>,
      %swap3A_237 = vector.shape_cast %swap3A_236 : vector<1x16xf32> to vector<16xf32>
      %swap3A_238 = vector.shape_cast %get3A_46 : vector<16xf32> to vector<1x16xf32>
      tpu.vector_store %arg8[%swap3A_234, %swap3A_235], %swap3A_238 {strides = array<i32>} : memref<200x64xf32, #tpu.memory_space<vmem>>, vector<1x16xf32>,
      %swap3A_239 = arith.constant 18 : i32
      %swap3A_240 = arith.index_cast %swap3A_239 : i32 to index
      %swap3A_241 = arith.constant 16 : index
      %swap3A_242 = tpu.vector_load %arg8[%swap3A_240, %swap3A_241] {strides = array<i32>} : memref<200x64xf32, #tpu.memory_space<vmem>>, vector<1x16xf32>,
      %swap3A_243 = vector.shape_cast %swap3A_242 : vector<1x16xf32> to vector<16xf32>
      %swap3A_244 = vector.shape_cast %get3A_51 : vector<16xf32> to vector<1x16xf32>
      tpu.vector_store %arg8[%swap3A_240, %swap3A_241], %swap3A_244 {strides = array<i32>} : memref<200x64xf32, #tpu.memory_space<vmem>>, vector<1x16xf32>,
      %swap3A_245 = arith.constant 18 : i32
      %swap3A_246 = arith.index_cast %swap3A_245 : i32 to index
      %swap3A_247 = arith.constant 32 : index
      %swap3A_248 = tpu.vector_load %arg8[%swap3A_246, %swap3A_247] {strides = array<i32>} : memref<200x64xf32, #tpu.memory_space<vmem>>, vector<1x16xf32>,
      %swap3A_249 = vector.shape_cast %swap3A_248 : vector<1x16xf32> to vector<16xf32>
      %swap3A_250 = vector.shape_cast %get3A_56 : vector<16xf32> to vector<1x16xf32>
      tpu.vector_store %arg8[%swap3A_246, %swap3A_247], %swap3A_250 {strides = array<i32>} : memref<200x64xf32, #tpu.memory_space<vmem>>, vector<1x16xf32>,
      %swap3A_251 = arith.constant 18 : i32
      %swap3A_252 = arith.index_cast %swap3A_251 : i32 to index
      %swap3A_253 = arith.constant 48 : index
      %swap3A_254 = tpu.vector_load %arg8[%swap3A_252, %swap3A_253] {strides = array<i32>} : memref<200x64xf32, #tpu.memory_space<vmem>>, vector<1x16xf32>,
      %swap3A_255 = vector.shape_cast %swap3A_254 : vector<1x16xf32> to vector<16xf32>
      %swap3A_256 = vector.shape_cast %get3A_61 : vector<16xf32> to vector<1x16xf32>
      tpu.vector_store %arg8[%swap3A_252, %swap3A_253], %swap3A_256 {strides = array<i32>} : memref<200x64xf32, #tpu.memory_space<vmem>>, vector<1x16xf32>,
      %swap3A_257 = arith.constant 19 : i32
      %swap3A_258 = arith.index_cast %swap3A_257 : i32 to index
      %swap3A_259 = arith.constant 0 : index
      %swap3A_260 = tpu.vector_load %arg8[%swap3A_258, %swap3A_259] {strides = array<i32>} : memref<200x64xf32, #tpu.memory_space<vmem>>, vector<1x16xf32>,
      %swap3A_261 = vector.shape_cast %swap3A_260 : vector<1x16xf32> to vector<16xf32>
      %swap3A_262 = vector.shape_cast %get3A_66 : vector<16xf32> to vector<1x16xf32>
      tpu.vector_store %arg8[%swap3A_258, %swap3A_259], %swap3A_262 {strides = array<i32>} : memref<200x64xf32, #tpu.memory_space<vmem>>, vector<1x16xf32>,
      %swap3A_263 = arith.constant 19 : i32
      %swap3A_264 = arith.index_cast %swap3A_263 : i32 to index
      %swap3A_265 = arith.constant 16 : index
      %swap3A_266 = tpu.vector_load %arg8[%swap3A_264, %swap3A_265] {strides = array<i32>} : memref<200x64xf32, #tpu.memory_space<vmem>>, vector<1x16xf32>,
      %swap3A_267 = vector.shape_cast %swap3A_266 : vector<1x16xf32> to vector<16xf32>
      %swap3A_268 = vector.shape_cast %get3A_71 : vector<16xf32> to vector<1x16xf32>
      tpu.vector_store %arg8[%swap3A_264, %swap3A_265], %swap3A_268 {strides = array<i32>} : memref<200x64xf32, #tpu.memory_space<vmem>>, vector<1x16xf32>,
      %swap3A_269 = arith.constant 19 : i32
      %swap3A_270 = arith.index_cast %swap3A_269 : i32 to index
      %swap3A_271 = arith.constant 32 : index
      %swap3A_272 = tpu.vector_load %arg8[%swap3A_270, %swap3A_271] {strides = array<i32>} : memref<200x64xf32, #tpu.memory_space<vmem>>, vector<1x16xf32>,
      %swap3A_273 = vector.shape_cast %swap3A_272 : vector<1x16xf32> to vector<16xf32>
      %swap3A_274 = vector.shape_cast %get3A_76 : vector<16xf32> to vector<1x16xf32>
      tpu.vector_store %arg8[%swap3A_270, %swap3A_271], %swap3A_274 {strides = array<i32>} : memref<200x64xf32, #tpu.memory_space<vmem>>, vector<1x16xf32>,
      %swap3A_275 = arith.constant 19 : i32
      %swap3A_276 = arith.index_cast %swap3A_275 : i32 to index
      %swap3A_277 = arith.constant 48 : index
      %swap3A_278 = tpu.vector_load %arg8[%swap3A_276, %swap3A_277] {strides = array<i32>} : memref<200x64xf32, #tpu.memory_space<vmem>>, vector<1x16xf32>,
      %swap3A_279 = vector.shape_cast %swap3A_278 : vector<1x16xf32> to vector<16xf32>
      %swap3A_280 = vector.shape_cast %get3A_81 : vector<16xf32> to vector<1x16xf32>
      tpu.vector_store %arg8[%swap3A_276, %swap3A_277], %swap3A_280 {strides = array<i32>} : memref<200x64xf32, #tpu.memory_space<vmem>>, vector<1x16xf32>,
      %add3A_281 = arith.addi %mul3A_2, %add3A_161 : i32
      %dma_start3A_282 = arith.constant 0 : i32
      %dma_start3A_283 = arith.constant 0 : i32
      %dma_start3A_284 = tpu.memref_slice %arg5[%add3A_281, %dma_start3A_282, %dma_start3A_283] : memref<4096x200x64xf32, #tpu.memory_space<hbm>> -> memref<1x200x64xf32, #tpu.memory_space<hbm>>
      %dma_start3A_285 = tpu.memref_squeeze %dma_start3A_284 : memref<1x200x64xf32, #tpu.memory_space<hbm>> -> memref<200x64xf32, #tpu.memory_space<hbm>>
      %dma_start3A_286 = arith.constant 0 : i32
      %dma_start3A_287 = arith.constant 0 : i32
      %dma_start3A_288 = tpu.memref_slice %arg5[%add3A_281, %dma_start3A_286, %dma_start3A_287] : memref<4096x200x64xf32, #tpu.memory_space<hbm>> -> memref<1x200x64xf32, #tpu.memory_space<hbm>>
      %dma_start3A_289 = tpu.memref_squeeze %dma_start3A_288 : memref<1x200x64xf32, #tpu.memory_space<hbm>> -> memref<200x64xf32, #tpu.memory_space<hbm>>
      tpu.enqueue_dma source(%arg8 : memref<200x64xf32, #tpu.memory_space<vmem>>) target(%dma_start3A_289 : memref<200x64xf32, #tpu.memory_space<hbm>>) target_semaphore(%arg16 : memref<!tpu.dma_semaphore, #tpu.memory_space<semaphore_mem>>)
      %add3A_290 = arith.constant 2 : i32
      %add3A_291 = arith.addi %add3A_161, %add3A_290 : i32
      %lt3A = arith.constant 128 : i32
      %lt3A_292 = arith.cmpi slt, %add3A_291, %lt3A : i32
      %convert_element_type3A = arith.extui %lt3A_292 : i1 to i32
      %cond3A = arith.constant 0 : i32
      %cond3A_293 = arith.cmpi ne, %convert_element_type3A, %cond3A : i32
      scf.if %cond3A_293 {
        %ge3A = arith.constant 2 : i32
        %ge3A_714 = arith.cmpi sge, %add3A_161, %ge3A : i32
        %convert_element_type3A_715 = arith.extui %ge3A_714 : i1 to i32
        %cond3A_716 = arith.constant 0 : i32
        %cond3A_717 = arith.cmpi ne, %convert_element_type3A_715, %cond3A_716 : i32
        scf.if %cond3A_717 {
          %dma_wait3A_738 = arith.constant 0 : i32
          %dma_wait3A_739 = arith.constant 0 : i32
          %dma_wait3A_740 = tpu.memref_slice %arg5[%mul3A_2, %dma_wait3A_738, %dma_wait3A_739] : memref<4096x200x64xf32, #tpu.memory_space<hbm>> -> memref<1x200x64xf32, #tpu.memory_space<hbm>>
          %dma_wait3A_741 = tpu.memref_squeeze %dma_wait3A_740 : memref<1x200x64xf32, #tpu.memory_space<hbm>> -> memref<200x64xf32, #tpu.memory_space<hbm>>
          %dma_wait3A_742 = arith.constant 0 : i32
          %dma_wait3A_743 = arith.constant 0 : i32
          %dma_wait3A_744 = tpu.memref_slice %arg5[%mul3A_2, %dma_wait3A_742, %dma_wait3A_743] : memref<4096x200x64xf32, #tpu.memory_space<hbm>> -> memref<1x200x64xf32, #tpu.memory_space<hbm>>
          %dma_wait3A_745 = tpu.memref_squeeze %dma_wait3A_744 : memref<1x200x64xf32, #tpu.memory_space<hbm>> -> memref<200x64xf32, #tpu.memory_space<hbm>>
          tpu.wait_dma2 semaphore(%arg18 : memref<!tpu.dma_semaphore, #tpu.memory_space<semaphore_mem>>) src(%arg10 : memref<200x64xf32, #tpu.memory_space<vmem>>) dst(%dma_wait3A_745 : memref<200x64xf32, #tpu.memory_space<hbm>>)
        } else {
        }
        %add3A_718 = arith.constant 2 : i32
        %add3A_719 = arith.addi %add3A_161, %add3A_718 : i32
        %dma_start3A_720 = arith.constant 16 : i32
        %dma_start3A_721 = arith.constant 0 : i32
        %dma_start3A_722 = tpu.memref_slice %arg10[%dma_start3A_720, %dma_start3A_721] : memref<200x64xf32, #tpu.memory_space<vmem>> -> memref<96x64xf32, #tpu.memory_space<vmem>>
        %dma_start3A_723 = arith.constant 0 : i32
        %dma_start3A_724 = tpu.memref_slice %arg6[%add3A_719, %dma_start3A_723] : memref<128x184xi32, #tpu.memory_space<vmem>> -> memref<1x96xi32, #tpu.memory_space<vmem>>
        %dma_start3A_725 = tpu.memref_squeeze %dma_start3A_724 : memref<1x96xi32, #tpu.memory_space<vmem>> -> memref<96xi32, #tpu.memory_space<vmem>>
        %dma_start3A_726 = arith.constant 0 : i32
        %dma_start3A_727 = arith.constant 0 : i32
        %dma_start3A_728 = tpu.memref_slice %arg3[%dma_start3A_726, %dma_start3A_727] : memref<100000x64xf32, #tpu.memory_space<hbm>> -> memref<100000x64xf32, #tpu.memory_space<hbm>>
        tpu.enqueue_indirect_dma source(%dma_start3A_728 : memref<100000x64xf32, #tpu.memory_space<hbm>>) target(%dma_start3A_722 : memref<96x64xf32, #tpu.memory_space<vmem>>) offsets(%dma_start3A_725 : memref<96xi32, #tpu.memory_space<vmem>>) semaphore(%arg14 : memref<!tpu.dma_semaphore, #tpu.memory_space<semaphore_mem>>)
        %dma_start3A_729 = arith.constant 112 : i32
        %dma_start3A_730 = arith.constant 0 : i32
        %dma_start3A_731 = tpu.memref_slice %arg10[%dma_start3A_729, %dma_start3A_730] : memref<200x64xf32, #tpu.memory_space<vmem>> -> memref<88x64xf32, #tpu.memory_space<vmem>>
        %dma_start3A_732 = arith.constant 96 : i32
        %dma_start3A_733 = tpu.memref_slice %arg6[%add3A_719, %dma_start3A_732] : memref<128x184xi32, #tpu.memory_space<vmem>> -> memref<1x88xi32, #tpu.memory_space<vmem>>
        %dma_start3A_734 = tpu.memref_squeeze %dma_start3A_733 : memref<1x88xi32, #tpu.memory_space<vmem>> -> memref<88xi32, #tpu.memory_space<vmem>>
        %dma_start3A_735 = arith.constant 0 : i32
        %dma_start3A_736 = arith.constant 0 : i32
        %dma_start3A_737 = tpu.memref_slice %arg3[%dma_start3A_735, %dma_start3A_736] : memref<100000x64xf32, #tpu.memory_space<hbm>> -> memref<100000x64xf32, #tpu.memory_space<hbm>>
        tpu.enqueue_indirect_dma source(%dma_start3A_737 : memref<100000x64xf32, #tpu.memory_space<hbm>>) target(%dma_start3A_731 : memref<88x64xf32, #tpu.memory_space<vmem>>) offsets(%dma_start3A_734 : memref<88xi32, #tpu.memory_space<vmem>>) semaphore(%arg14 : memref<!tpu.dma_semaphore, #tpu.memory_space<semaphore_mem>>)
      } else {
      }
      %mul3A_294 = arith.constant 4 : i32
      %mul3A_295 = arith.muli %scan3A_157, %mul3A_294 : i32
      %add3A_296 = arith.constant 1 : i32
      %add3A_297 = arith.addi %mul3A_295, %add3A_296 : i32
      %dma_wait3A_298 = arith.constant 16 : i32
      %dma_wait3A_299 = arith.constant 0 : i32
      %dma_wait3A_300 = tpu.memref_slice %arg9[%dma_wait3A_298, %dma_wait3A_299] : memref<200x64xf32, #tpu.memory_space<vmem>> -> memref<96x64xf32, #tpu.memory_space<vmem>>
      %dma_wait3A_301 = arith.constant 0 : i32
      %dma_wait3A_302 = arith.constant 0 : i32
      %dma_wait3A_303 = tpu.memref_slice %arg3[%dma_wait3A_301, %dma_wait3A_302] : memref<100000x64xf32, #tpu.memory_space<hbm>> -> memref<96x64xf32, #tpu.memory_space<hbm>>
      %dma_wait3A_304 = arith.constant 16 : i32
      %dma_wait3A_305 = arith.constant 0 : i32
      %dma_wait3A_306 = tpu.memref_slice %arg9[%dma_wait3A_304, %dma_wait3A_305] : memref<200x64xf32, #tpu.memory_space<vmem>> -> memref<96x64xf32, #tpu.memory_space<vmem>>
      %dma_wait3A_307 = arith.constant 0 : i32
      %dma_wait3A_308 = arith.constant 0 : i32
      %dma_wait3A_309 = tpu.memref_slice %arg3[%dma_wait3A_307, %dma_wait3A_308] : memref<100000x64xf32, #tpu.memory_space<hbm>> -> memref<96x64xf32, #tpu.memory_space<hbm>>
      tpu.wait_dma2 semaphore(%arg13 : memref<!tpu.dma_semaphore, #tpu.memory_space<semaphore_mem>>) src(%dma_wait3A_309 : memref<96x64xf32, #tpu.memory_space<hbm>>) dst(%dma_wait3A_306 : memref<96x64xf32, #tpu.memory_space<vmem>>)
      %dma_wait3A_310 = arith.constant 112 : i32
      %dma_wait3A_311 = arith.constant 0 : i32
      %dma_wait3A_312 = tpu.memref_slice %arg9[%dma_wait3A_310, %dma_wait3A_311] : memref<200x64xf32, #tpu.memory_space<vmem>> -> memref<88x64xf32, #tpu.memory_space<vmem>>
      %dma_wait3A_313 = arith.constant 0 : i32
      %dma_wait3A_314 = arith.constant 0 : i32
      %dma_wait3A_315 = tpu.memref_slice %arg3[%dma_wait3A_313, %dma_wait3A_314] : memref<100000x64xf32, #tpu.memory_space<hbm>> -> memref<88x64xf32, #tpu.memory_space<hbm>>
      %dma_wait3A_316 = arith.constant 112 : i32
      %dma_wait3A_317 = arith.constant 0 : i32
      %dma_wait3A_318 = tpu.memref_slice %arg9[%dma_wait3A_316, %dma_wait3A_317] : memref<200x64xf32, #tpu.memory_space<vmem>> -> memref<88x64xf32, #tpu.memory_space<vmem>>
      %dma_wait3A_319 = arith.constant 0 : i32
      %dma_wait3A_320 = arith.constant 0 : i32
      %dma_wait3A_321 = tpu.memref_slice %arg3[%dma_wait3A_319, %dma_wait3A_320] : memref<100000x64xf32, #tpu.memory_space<hbm>> -> memref<88x64xf32, #tpu.memory_space<hbm>>
      tpu.wait_dma2 semaphore(%arg13 : memref<!tpu.dma_semaphore, #tpu.memory_space<semaphore_mem>>) src(%dma_wait3A_321 : memref<88x64xf32, #tpu.memory_space<hbm>>) dst(%dma_wait3A_318 : memref<88x64xf32, #tpu.memory_space<vmem>>)
      %swap3A_322 = arith.constant 16 : i32
      %swap3A_323 = arith.index_cast %swap3A_322 : i32 to index
      %swap3A_324 = arith.constant 0 : index
      %swap3A_325 = tpu.vector_load %arg9[%swap3A_323, %swap3A_324] {strides = array<i32>} : memref<200x64xf32, #tpu.memory_space<vmem>>, vector<1x16xf32>,
      %swap3A_326 = vector.shape_cast %swap3A_325 : vector<1x16xf32> to vector<16xf32>
      %swap3A_327 = vector.shape_cast %get3A_6 : vector<16xf32> to vector<1x16xf32>
      tpu.vector_store %arg9[%swap3A_323, %swap3A_324], %swap3A_327 {strides = array<i32>} : memref<200x64xf32, #tpu.memory_space<vmem>>, vector<1x16xf32>,
      %swap3A_328 = arith.constant 16 : i32
      %swap3A_329 = arith.index_cast %swap3A_328 : i32 to index
      %swap3A_330 = arith.constant 16 : index
      %swap3A_331 = tpu.vector_load %arg9[%swap3A_329, %swap3A_330] {strides = array<i32>} : memref<200x64xf32, #tpu.memory_space<vmem>>, vector<1x16xf32>,
      %swap3A_332 = vector.shape_cast %swap3A_331 : vector<1x16xf32> to vector<16xf32>
      %swap3A_333 = vector.shape_cast %get3A_11 : vector<16xf32> to vector<1x16xf32>
      tpu.vector_store %arg9[%swap3A_329, %swap3A_330], %swap3A_333 {strides = array<i32>} : memref<200x64xf32, #tpu.memory_space<vmem>>, vector<1x16xf32>,
      %swap3A_334 = arith.constant 16 : i32
      %swap3A_335 = arith.index_cast %swap3A_334 : i32 to index
      %swap3A_336 = arith.constant 32 : index
      %swap3A_337 = tpu.vector_load %arg9[%swap3A_335, %swap3A_336] {strides = array<i32>} : memref<200x64xf32, #tpu.memory_space<vmem>>, vector<1x16xf32>,
      %swap3A_338 = vector.shape_cast %swap3A_337 : vector<1x16xf32> to vector<16xf32>
      %swap3A_339 = vector.shape_cast %get3A_16 : vector<16xf32> to vector<1x16xf32>
      tpu.vector_store %arg9[%swap3A_335, %swap3A_336], %swap3A_339 {strides = array<i32>} : memref<200x64xf32, #tpu.memory_space<vmem>>, vector<1x16xf32>,
      %swap3A_340 = arith.constant 16 : i32
      %swap3A_341 = arith.index_cast %swap3A_340 : i32 to index
      %swap3A_342 = arith.constant 48 : index
      %swap3A_343 = tpu.vector_load %arg9[%swap3A_341, %swap3A_342] {strides = array<i32>} : memref<200x64xf32, #tpu.memory_space<vmem>>, vector<1x16xf32>,
      %swap3A_344 = vector.shape_cast %swap3A_343 : vector<1x16xf32> to vector<16xf32>
      %swap3A_345 = vector.shape_cast %get3A_21 : vector<16xf32> to vector<1x16xf32>
      tpu.vector_store %arg9[%swap3A_341, %swap3A_342], %swap3A_345 {strides = array<i32>} : memref<200x64xf32, #tpu.memory_space<vmem>>, vector<1x16xf32>,
      %swap3A_346 = arith.constant 17 : i32
      %swap3A_347 = arith.index_cast %swap3A_346 : i32 to index
      %swap3A_348 = arith.constant 0 : index
      %swap3A_349 = tpu.vector_load %arg9[%swap3A_347, %swap3A_348] {strides = array<i32>} : memref<200x64xf32, #tpu.memory_space<vmem>>, vector<1x16xf32>,
      %swap3A_350 = vector.shape_cast %swap3A_349 : vector<1x16xf32> to vector<16xf32>
      %swap3A_351 = vector.shape_cast %get3A_26 : vector<16xf32> to vector<1x16xf32>
      tpu.vector_store %arg9[%swap3A_347, %swap3A_348], %swap3A_351 {strides = array<i32>} : memref<200x64xf32, #tpu.memory_space<vmem>>, vector<1x16xf32>,
      %swap3A_352 = arith.constant 17 : i32
      %swap3A_353 = arith.index_cast %swap3A_352 : i32 to index
      %swap3A_354 = arith.constant 16 : index
      %swap3A_355 = tpu.vector_load %arg9[%swap3A_353, %swap3A_354] {strides = array<i32>} : memref<200x64xf32, #tpu.memory_space<vmem>>, vector<1x16xf32>,
      %swap3A_356 = vector.shape_cast %swap3A_355 : vector<1x16xf32> to vector<16xf32>
      %swap3A_357 = vector.shape_cast %get3A_31 : vector<16xf32> to vector<1x16xf32>
      tpu.vector_store %arg9[%swap3A_353, %swap3A_354], %swap3A_357 {strides = array<i32>} : memref<200x64xf32, #tpu.memory_space<vmem>>, vector<1x16xf32>,
      %swap3A_358 = arith.constant 17 : i32
      %swap3A_359 = arith.index_cast %swap3A_358 : i32 to index
      %swap3A_360 = arith.constant 32 : index
      %swap3A_361 = tpu.vector_load %arg9[%swap3A_359, %swap3A_360] {strides = array<i32>} : memref<200x64xf32, #tpu.memory_space<vmem>>, vector<1x16xf32>,
      %swap3A_362 = vector.shape_cast %swap3A_361 : vector<1x16xf32> to vector<16xf32>
      %swap3A_363 = vector.shape_cast %get3A_36 : vector<16xf32> to vector<1x16xf32>
      tpu.vector_store %arg9[%swap3A_359, %swap3A_360], %swap3A_363 {strides = array<i32>} : memref<200x64xf32, #tpu.memory_space<vmem>>, vector<1x16xf32>,
      %swap3A_364 = arith.constant 17 : i32
      %swap3A_365 = arith.index_cast %swap3A_364 : i32 to index
      %swap3A_366 = arith.constant 48 : index
      %swap3A_367 = tpu.vector_load %arg9[%swap3A_365, %swap3A_366] {strides = array<i32>} : memref<200x64xf32, #tpu.memory_space<vmem>>, vector<1x16xf32>,
      %swap3A_368 = vector.shape_cast %swap3A_367 : vector<1x16xf32> to vector<16xf32>
      %swap3A_369 = vector.shape_cast %get3A_41 : vector<16xf32> to vector<1x16xf32>
      tpu.vector_store %arg9[%swap3A_365, %swap3A_366], %swap3A_369 {strides = array<i32>} : memref<200x64xf32, #tpu.memory_space<vmem>>, vector<1x16xf32>,
      %swap3A_370 = arith.constant 18 : i32
      %swap3A_371 = arith.index_cast %swap3A_370 : i32 to index
      %swap3A_372 = arith.constant 0 : index
      %swap3A_373 = tpu.vector_load %arg9[%swap3A_371, %swap3A_372] {strides = array<i32>} : memref<200x64xf32, #tpu.memory_space<vmem>>, vector<1x16xf32>,
      %swap3A_374 = vector.shape_cast %swap3A_373 : vector<1x16xf32> to vector<16xf32>
      %swap3A_375 = vector.shape_cast %get3A_46 : vector<16xf32> to vector<1x16xf32>
      tpu.vector_store %arg9[%swap3A_371, %swap3A_372], %swap3A_375 {strides = array<i32>} : memref<200x64xf32, #tpu.memory_space<vmem>>, vector<1x16xf32>,
      %swap3A_376 = arith.constant 18 : i32
      %swap3A_377 = arith.index_cast %swap3A_376 : i32 to index
      %swap3A_378 = arith.constant 16 : index
      %swap3A_379 = tpu.vector_load %arg9[%swap3A_377, %swap3A_378] {strides = array<i32>} : memref<200x64xf32, #tpu.memory_space<vmem>>, vector<1x16xf32>,
      %swap3A_380 = vector.shape_cast %swap3A_379 : vector<1x16xf32> to vector<16xf32>
      %swap3A_381 = vector.shape_cast %get3A_51 : vector<16xf32> to vector<1x16xf32>
      tpu.vector_store %arg9[%swap3A_377, %swap3A_378], %swap3A_381 {strides = array<i32>} : memref<200x64xf32, #tpu.memory_space<vmem>>, vector<1x16xf32>,
      %swap3A_382 = arith.constant 18 : i32
      %swap3A_383 = arith.index_cast %swap3A_382 : i32 to index
      %swap3A_384 = arith.constant 32 : index
      %swap3A_385 = tpu.vector_load %arg9[%swap3A_383, %swap3A_384] {strides = array<i32>} : memref<200x64xf32, #tpu.memory_space<vmem>>, vector<1x16xf32>,
      %swap3A_386 = vector.shape_cast %swap3A_385 : vector<1x16xf32> to vector<16xf32>
      %swap3A_387 = vector.shape_cast %get3A_56 : vector<16xf32> to vector<1x16xf32>
      tpu.vector_store %arg9[%swap3A_383, %swap3A_384], %swap3A_387 {strides = array<i32>} : memref<200x64xf32, #tpu.memory_space<vmem>>, vector<1x16xf32>,
      %swap3A_388 = arith.constant 18 : i32
      %swap3A_389 = arith.index_cast %swap3A_388 : i32 to index
      %swap3A_390 = arith.constant 48 : index
      %swap3A_391 = tpu.vector_load %arg9[%swap3A_389, %swap3A_390] {strides = array<i32>} : memref<200x64xf32, #tpu.memory_space<vmem>>, vector<1x16xf32>,
      %swap3A_392 = vector.shape_cast %swap3A_391 : vector<1x16xf32> to vector<16xf32>
      %swap3A_393 = vector.shape_cast %get3A_61 : vector<16xf32> to vector<1x16xf32>
      tpu.vector_store %arg9[%swap3A_389, %swap3A_390], %swap3A_393 {strides = array<i32>} : memref<200x64xf32, #tpu.memory_space<vmem>>, vector<1x16xf32>,
      %swap3A_394 = arith.constant 19 : i32
      %swap3A_395 = arith.index_cast %swap3A_394 : i32 to index
      %swap3A_396 = arith.constant 0 : index
      %swap3A_397 = tpu.vector_load %arg9[%swap3A_395, %swap3A_396] {strides = array<i32>} : memref<200x64xf32, #tpu.memory_space<vmem>>, vector<1x16xf32>,
      %swap3A_398 = vector.shape_cast %swap3A_397 : vector<1x16xf32> to vector<16xf32>
      %swap3A_399 = vector.shape_cast %get3A_66 : vector<16xf32> to vector<1x16xf32>
      tpu.vector_store %arg9[%swap3A_395, %swap3A_396], %swap3A_399 {strides = array<i32>} : memref<200x64xf32, #tpu.memory_space<vmem>>, vector<1x16xf32>,
      %swap3A_400 = arith.constant 19 : i32
      %swap3A_401 = arith.index_cast %swap3A_400 : i32 to index
      %swap3A_402 = arith.constant 16 : index
      %swap3A_403 = tpu.vector_load %arg9[%swap3A_401, %swap3A_402] {strides = array<i32>} : memref<200x64xf32, #tpu.memory_space<vmem>>, vector<1x16xf32>,
      %swap3A_404 = vector.shape_cast %swap3A_403 : vector<1x16xf32> to vector<16xf32>
      %swap3A_405 = vector.shape_cast %get3A_71 : vector<16xf32> to vector<1x16xf32>
      tpu.vector_store %arg9[%swap3A_401, %swap3A_402], %swap3A_405 {strides = array<i32>} : memref<200x64xf32, #tpu.memory_space<vmem>>, vector<1x16xf32>,
      %swap3A_406 = arith.constant 19 : i32
      %swap3A_407 = arith.index_cast %swap3A_406 : i32 to index
      %swap3A_408 = arith.constant 32 : index
      %swap3A_409 = tpu.vector_load %arg9[%swap3A_407, %swap3A_408] {strides = array<i32>} : memref<200x64xf32, #tpu.memory_space<vmem>>, vector<1x16xf32>,
      %swap3A_410 = vector.shape_cast %swap3A_409 : vector<1x16xf32> to vector<16xf32>
      %swap3A_411 = vector.shape_cast %get3A_76 : vector<16xf32> to vector<1x16xf32>
      tpu.vector_store %arg9[%swap3A_407, %swap3A_408], %swap3A_411 {strides = array<i32>} : memref<200x64xf32, #tpu.memory_space<vmem>>, vector<1x16xf32>,
      %swap3A_412 = arith.constant 19 : i32
      %swap3A_413 = arith.index_cast %swap3A_412 : i32 to index
      %swap3A_414 = arith.constant 48 : index
      %swap3A_415 = tpu.vector_load %arg9[%swap3A_413, %swap3A_414] {strides = array<i32>} : memref<200x64xf32, #tpu.memory_space<vmem>>, vector<1x16xf32>,
      %swap3A_416 = vector.shape_cast %swap3A_415 : vector<1x16xf32> to vector<16xf32>
      %swap3A_417 = vector.shape_cast %get3A_81 : vector<16xf32> to vector<1x16xf32>
      tpu.vector_store %arg9[%swap3A_413, %swap3A_414], %swap3A_417 {strides = array<i32>} : memref<200x64xf32, #tpu.memory_space<vmem>>, vector<1x16xf32>,
      %add3A_418 = arith.addi %mul3A_2, %add3A_297 : i32
      %dma_start3A_419 = arith.constant 0 : i32
      %dma_start3A_420 = arith.constant 0 : i32
      %dma_start3A_421 = tpu.memref_slice %arg5[%add3A_418, %dma_start3A_419, %dma_start3A_420] : memref<4096x200x64xf32, #tpu.memory_space<hbm>> -> memref<1x200x64xf32, #tpu.memory_space<hbm>>
      %dma_start3A_422 = tpu.memref_squeeze %dma_start3A_421 : memref<1x200x64xf32, #tpu.memory_space<hbm>> -> memref<200x64xf32, #tpu.memory_space<hbm>>
      %dma_start3A_423 = arith.constant 0 : i32
      %dma_start3A_424 = arith.constant 0 : i32
      %dma_start3A_425 = tpu.memref_slice %arg5[%add3A_418, %dma_start3A_423, %dma_start3A_424] : memref<4096x200x64xf32, #tpu.memory_space<hbm>> -> memref<1x200x64xf32, #tpu.memory_space<hbm>>
      %dma_start3A_426 = tpu.memref_squeeze %dma_start3A_425 : memref<1x200x64xf32, #tpu.memory_space<hbm>> -> memref<200x64xf32, #tpu.memory_space<hbm>>
      tpu.enqueue_dma source(%arg9 : memref<200x64xf32, #tpu.memory_space<vmem>>) target(%dma_start3A_426 : memref<200x64xf32, #tpu.memory_space<hbm>>) target_semaphore(%arg17 : memref<!tpu.dma_semaphore, #tpu.memory_space<semaphore_mem>>)
      %add3A_427 = arith.constant 2 : i32
      %add3A_428 = arith.addi %add3A_297, %add3A_427 : i32
      %lt3A_429 = arith.constant 128 : i32
      %lt3A_430 = arith.cmpi slt, %add3A_428, %lt3A_429 : i32
      %convert_element_type3A_431 = arith.extui %lt3A_430 : i1 to i32
      %cond3A_432 = arith.constant 0 : i32
      %cond3A_433 = arith.cmpi ne, %convert_element_type3A_431, %cond3A_432 : i32
      scf.if %cond3A_433 {
        %ge3A = arith.constant 2 : i32
        %ge3A_714 = arith.cmpi sge, %add3A_297, %ge3A : i32
        %convert_element_type3A_715 = arith.extui %ge3A_714 : i1 to i32
        %cond3A_716 = arith.constant 0 : i32
        %cond3A_717 = arith.cmpi ne, %convert_element_type3A_715, %cond3A_716 : i32
        scf.if %cond3A_717 {
          %dma_wait3A_738 = arith.constant 0 : i32
          %dma_wait3A_739 = arith.constant 0 : i32
          %dma_wait3A_740 = tpu.memref_slice %arg5[%mul3A_2, %dma_wait3A_738, %dma_wait3A_739] : memref<4096x200x64xf32, #tpu.memory_space<hbm>> -> memref<1x200x64xf32, #tpu.memory_space<hbm>>
          %dma_wait3A_741 = tpu.memref_squeeze %dma_wait3A_740 : memref<1x200x64xf32, #tpu.memory_space<hbm>> -> memref<200x64xf32, #tpu.memory_space<hbm>>
          %dma_wait3A_742 = arith.constant 0 : i32
          %dma_wait3A_743 = arith.constant 0 : i32
          %dma_wait3A_744 = tpu.memref_slice %arg5[%mul3A_2, %dma_wait3A_742, %dma_wait3A_743] : memref<4096x200x64xf32, #tpu.memory_space<hbm>> -> memref<1x200x64xf32, #tpu.memory_space<hbm>>
          %dma_wait3A_745 = tpu.memref_squeeze %dma_wait3A_744 : memref<1x200x64xf32, #tpu.memory_space<hbm>> -> memref<200x64xf32, #tpu.memory_space<hbm>>
          tpu.wait_dma2 semaphore(%arg19 : memref<!tpu.dma_semaphore, #tpu.memory_space<semaphore_mem>>) src(%arg11 : memref<200x64xf32, #tpu.memory_space<vmem>>) dst(%dma_wait3A_745 : memref<200x64xf32, #tpu.memory_space<hbm>>)
        } else {
        }
        %add3A_718 = arith.constant 2 : i32
        %add3A_719 = arith.addi %add3A_297, %add3A_718 : i32
        %dma_start3A_720 = arith.constant 16 : i32
        %dma_start3A_721 = arith.constant 0 : i32
        %dma_start3A_722 = tpu.memref_slice %arg11[%dma_start3A_720, %dma_start3A_721] : memref<200x64xf32, #tpu.memory_space<vmem>> -> memref<96x64xf32, #tpu.memory_space<vmem>>
        %dma_start3A_723 = arith.constant 0 : i32
        %dma_start3A_724 = tpu.memref_slice %arg6[%add3A_719, %dma_start3A_723] : memref<128x184xi32, #tpu.memory_space<vmem>> -> memref<1x96xi32, #tpu.memory_space<vmem>>
        %dma_start3A_725 = tpu.memref_squeeze %dma_start3A_724 : memref<1x96xi32, #tpu.memory_space<vmem>> -> memref<96xi32, #tpu.memory_space<vmem>>
        %dma_start3A_726 = arith.constant 0 : i32
        %dma_start3A_727 = arith.constant 0 : i32
        %dma_start3A_728 = tpu.memref_slice %arg3[%dma_start3A_726, %dma_start3A_727] : memref<100000x64xf32, #tpu.memory_space<hbm>> -> memref<100000x64xf32, #tpu.memory_space<hbm>>
        tpu.enqueue_indirect_dma source(%dma_start3A_728 : memref<100000x64xf32, #tpu.memory_space<hbm>>) target(%dma_start3A_722 : memref<96x64xf32, #tpu.memory_space<vmem>>) offsets(%dma_start3A_725 : memref<96xi32, #tpu.memory_space<vmem>>) semaphore(%arg15 : memref<!tpu.dma_semaphore, #tpu.memory_space<semaphore_mem>>)
        %dma_start3A_729 = arith.constant 112 : i32
        %dma_start3A_730 = arith.constant 0 : i32
        %dma_start3A_731 = tpu.memref_slice %arg11[%dma_start3A_729, %dma_start3A_730] : memref<200x64xf32, #tpu.memory_space<vmem>> -> memref<88x64xf32, #tpu.memory_space<vmem>>
        %dma_start3A_732 = arith.constant 96 : i32
        %dma_start3A_733 = tpu.memref_slice %arg6[%add3A_719, %dma_start3A_732] : memref<128x184xi32, #tpu.memory_space<vmem>> -> memref<1x88xi32, #tpu.memory_space<vmem>>
        %dma_start3A_734 = tpu.memref_squeeze %dma_start3A_733 : memref<1x88xi32, #tpu.memory_space<vmem>> -> memref<88xi32, #tpu.memory_space<vmem>>
        %dma_start3A_735 = arith.constant 0 : i32
        %dma_start3A_736 = arith.constant 0 : i32
        %dma_start3A_737 = tpu.memref_slice %arg3[%dma_start3A_735, %dma_start3A_736] : memref<100000x64xf32, #tpu.memory_space<hbm>> -> memref<100000x64xf32, #tpu.memory_space<hbm>>
        tpu.enqueue_indirect_dma source(%dma_start3A_737 : memref<100000x64xf32, #tpu.memory_space<hbm>>) target(%dma_start3A_731 : memref<88x64xf32, #tpu.memory_space<vmem>>) offsets(%dma_start3A_734 : memref<88xi32, #tpu.memory_space<vmem>>) semaphore(%arg15 : memref<!tpu.dma_semaphore, #tpu.memory_space<semaphore_mem>>)
      } else {
      }
      %mul3A_434 = arith.constant 4 : i32
      %mul3A_435 = arith.muli %scan3A_157, %mul3A_434 : i32
      %add3A_436 = arith.constant 2 : i32
      %add3A_437 = arith.addi %mul3A_435, %add3A_436 : i32
      %dma_wait3A_438 = arith.constant 16 : i32
      %dma_wait3A_439 = arith.constant 0 : i32
      %dma_wait3A_440 = tpu.memref_slice %arg10[%dma_wait3A_438, %dma_wait3A_439] : memref<200x64xf32, #tpu.memory_space<vmem>> -> memref<96x64xf32, #tpu.memory_space<vmem>>
      %dma_wait3A_441 = arith.constant 0 : i32
      %dma_wait3A_442 = arith.constant 0 : i32
      %dma_wait3A_443 = tpu.memref_slice %arg3[%dma_wait3A_441, %dma_wait3A_442] : memref<100000x64xf32, #tpu.memory_space<hbm>> -> memref<96x64xf32, #tpu.memory_space<hbm>>
      %dma_wait3A_444 = arith.constant 16 : i32
      %dma_wait3A_445 = arith.constant 0 : i32
      %dma_wait3A_446 = tpu.memref_slice %arg10[%dma_wait3A_444, %dma_wait3A_445] : memref<200x64xf32, #tpu.memory_space<vmem>> -> memref<96x64xf32, #tpu.memory_space<vmem>>
      %dma_wait3A_447 = arith.constant 0 : i32
      %dma_wait3A_448 = arith.constant 0 : i32
      %dma_wait3A_449 = tpu.memref_slice %arg3[%dma_wait3A_447, %dma_wait3A_448] : memref<100000x64xf32, #tpu.memory_space<hbm>> -> memref<96x64xf32, #tpu.memory_space<hbm>>
      tpu.wait_dma2 semaphore(%arg14 : memref<!tpu.dma_semaphore, #tpu.memory_space<semaphore_mem>>) src(%dma_wait3A_449 : memref<96x64xf32, #tpu.memory_space<hbm>>) dst(%dma_wait3A_446 : memref<96x64xf32, #tpu.memory_space<vmem>>)
      %dma_wait3A_450 = arith.constant 112 : i32
      %dma_wait3A_451 = arith.constant 0 : i32
      %dma_wait3A_452 = tpu.memref_slice %arg10[%dma_wait3A_450, %dma_wait3A_451] : memref<200x64xf32, #tpu.memory_space<vmem>> -> memref<88x64xf32, #tpu.memory_space<vmem>>
      %dma_wait3A_453 = arith.constant 0 : i32
      %dma_wait3A_454 = arith.constant 0 : i32
      %dma_wait3A_455 = tpu.memref_slice %arg3[%dma_wait3A_453, %dma_wait3A_454] : memref<100000x64xf32, #tpu.memory_space<hbm>> -> memref<88x64xf32, #tpu.memory_space<hbm>>
      %dma_wait3A_456 = arith.constant 112 : i32
      %dma_wait3A_457 = arith.constant 0 : i32
      %dma_wait3A_458 = tpu.memref_slice %arg10[%dma_wait3A_456, %dma_wait3A_457] : memref<200x64xf32, #tpu.memory_space<vmem>> -> memref<88x64xf32, #tpu.memory_space<vmem>>
      %dma_wait3A_459 = arith.constant 0 : i32
      %dma_wait3A_460 = arith.constant 0 : i32
      %dma_wait3A_461 = tpu.memref_slice %arg3[%dma_wait3A_459, %dma_wait3A_460] : memref<100000x64xf32, #tpu.memory_space<hbm>> -> memref<88x64xf32, #tpu.memory_space<hbm>>
      tpu.wait_dma2 semaphore(%arg14 : memref<!tpu.dma_semaphore, #tpu.memory_space<semaphore_mem>>) src(%dma_wait3A_461 : memref<88x64xf32, #tpu.memory_space<hbm>>) dst(%dma_wait3A_458 : memref<88x64xf32, #tpu.memory_space<vmem>>)
      %swap3A_462 = arith.constant 16 : i32
      %swap3A_463 = arith.index_cast %swap3A_462 : i32 to index
      %swap3A_464 = arith.constant 0 : index
      %swap3A_465 = tpu.vector_load %arg10[%swap3A_463, %swap3A_464] {strides = array<i32>} : memref<200x64xf32, #tpu.memory_space<vmem>>, vector<1x16xf32>,
      %swap3A_466 = vector.shape_cast %swap3A_465 : vector<1x16xf32> to vector<16xf32>
      %swap3A_467 = vector.shape_cast %get3A_6 : vector<16xf32> to vector<1x16xf32>
      tpu.vector_store %arg10[%swap3A_463, %swap3A_464], %swap3A_467 {strides = array<i32>} : memref<200x64xf32, #tpu.memory_space<vmem>>, vector<1x16xf32>,
      %swap3A_468 = arith.constant 16 : i32
      %swap3A_469 = arith.index_cast %swap3A_468 : i32 to index
      %swap3A_470 = arith.constant 16 : index
      %swap3A_471 = tpu.vector_load %arg10[%swap3A_469, %swap3A_470] {strides = array<i32>} : memref<200x64xf32, #tpu.memory_space<vmem>>, vector<1x16xf32>,
      %swap3A_472 = vector.shape_cast %swap3A_471 : vector<1x16xf32> to vector<16xf32>
      %swap3A_473 = vector.shape_cast %get3A_11 : vector<16xf32> to vector<1x16xf32>
      tpu.vector_store %arg10[%swap3A_469, %swap3A_470], %swap3A_473 {strides = array<i32>} : memref<200x64xf32, #tpu.memory_space<vmem>>, vector<1x16xf32>,
      %swap3A_474 = arith.constant 16 : i32
      %swap3A_475 = arith.index_cast %swap3A_474 : i32 to index
      %swap3A_476 = arith.constant 32 : index
      %swap3A_477 = tpu.vector_load %arg10[%swap3A_475, %swap3A_476] {strides = array<i32>} : memref<200x64xf32, #tpu.memory_space<vmem>>, vector<1x16xf32>,
      %swap3A_478 = vector.shape_cast %swap3A_477 : vector<1x16xf32> to vector<16xf32>
      %swap3A_479 = vector.shape_cast %get3A_16 : vector<16xf32> to vector<1x16xf32>
      tpu.vector_store %arg10[%swap3A_475, %swap3A_476], %swap3A_479 {strides = array<i32>} : memref<200x64xf32, #tpu.memory_space<vmem>>, vector<1x16xf32>,
      %swap3A_480 = arith.constant 16 : i32
      %swap3A_481 = arith.index_cast %swap3A_480 : i32 to index
      %swap3A_482 = arith.constant 48 : index
      %swap3A_483 = tpu.vector_load %arg10[%swap3A_481, %swap3A_482] {strides = array<i32>} : memref<200x64xf32, #tpu.memory_space<vmem>>, vector<1x16xf32>,
      %swap3A_484 = vector.shape_cast %swap3A_483 : vector<1x16xf32> to vector<16xf32>
      %swap3A_485 = vector.shape_cast %get3A_21 : vector<16xf32> to vector<1x16xf32>
      tpu.vector_store %arg10[%swap3A_481, %swap3A_482], %swap3A_485 {strides = array<i32>} : memref<200x64xf32, #tpu.memory_space<vmem>>, vector<1x16xf32>,
      %swap3A_486 = arith.constant 17 : i32
      %swap3A_487 = arith.index_cast %swap3A_486 : i32 to index
      %swap3A_488 = arith.constant 0 : index
      %swap3A_489 = tpu.vector_load %arg10[%swap3A_487, %swap3A_488] {strides = array<i32>} : memref<200x64xf32, #tpu.memory_space<vmem>>, vector<1x16xf32>,
      %swap3A_490 = vector.shape_cast %swap3A_489 : vector<1x16xf32> to vector<16xf32>
      %swap3A_491 = vector.shape_cast %get3A_26 : vector<16xf32> to vector<1x16xf32>
      tpu.vector_store %arg10[%swap3A_487, %swap3A_488], %swap3A_491 {strides = array<i32>} : memref<200x64xf32, #tpu.memory_space<vmem>>, vector<1x16xf32>,
      %swap3A_492 = arith.constant 17 : i32
      %swap3A_493 = arith.index_cast %swap3A_492 : i32 to index
      %swap3A_494 = arith.constant 16 : index
      %swap3A_495 = tpu.vector_load %arg10[%swap3A_493, %swap3A_494] {strides = array<i32>} : memref<200x64xf32, #tpu.memory_space<vmem>>, vector<1x16xf32>,
      %swap3A_496 = vector.shape_cast %swap3A_495 : vector<1x16xf32> to vector<16xf32>
      %swap3A_497 = vector.shape_cast %get3A_31 : vector<16xf32> to vector<1x16xf32>
      tpu.vector_store %arg10[%swap3A_493, %swap3A_494], %swap3A_497 {strides = array<i32>} : memref<200x64xf32, #tpu.memory_space<vmem>>, vector<1x16xf32>,
      %swap3A_498 = arith.constant 17 : i32
      %swap3A_499 = arith.index_cast %swap3A_498 : i32 to index
      %swap3A_500 = arith.constant 32 : index
      %swap3A_501 = tpu.vector_load %arg10[%swap3A_499, %swap3A_500] {strides = array<i32>} : memref<200x64xf32, #tpu.memory_space<vmem>>, vector<1x16xf32>,
      %swap3A_502 = vector.shape_cast %swap3A_501 : vector<1x16xf32> to vector<16xf32>
      %swap3A_503 = vector.shape_cast %get3A_36 : vector<16xf32> to vector<1x16xf32>
      tpu.vector_store %arg10[%swap3A_499, %swap3A_500], %swap3A_503 {strides = array<i32>} : memref<200x64xf32, #tpu.memory_space<vmem>>, vector<1x16xf32>,
      %swap3A_504 = arith.constant 17 : i32
      %swap3A_505 = arith.index_cast %swap3A_504 : i32 to index
      %swap3A_506 = arith.constant 48 : index
      %swap3A_507 = tpu.vector_load %arg10[%swap3A_505, %swap3A_506] {strides = array<i32>} : memref<200x64xf32, #tpu.memory_space<vmem>>, vector<1x16xf32>,
      %swap3A_508 = vector.shape_cast %swap3A_507 : vector<1x16xf32> to vector<16xf32>
      %swap3A_509 = vector.shape_cast %get3A_41 : vector<16xf32> to vector<1x16xf32>
      tpu.vector_store %arg10[%swap3A_505, %swap3A_506], %swap3A_509 {strides = array<i32>} : memref<200x64xf32, #tpu.memory_space<vmem>>, vector<1x16xf32>,
      %swap3A_510 = arith.constant 18 : i32
      %swap3A_511 = arith.index_cast %swap3A_510 : i32 to index
      %swap3A_512 = arith.constant 0 : index
      %swap3A_513 = tpu.vector_load %arg10[%swap3A_511, %swap3A_512] {strides = array<i32>} : memref<200x64xf32, #tpu.memory_space<vmem>>, vector<1x16xf32>,
      %swap3A_514 = vector.shape_cast %swap3A_513 : vector<1x16xf32> to vector<16xf32>
      %swap3A_515 = vector.shape_cast %get3A_46 : vector<16xf32> to vector<1x16xf32>
      tpu.vector_store %arg10[%swap3A_511, %swap3A_512], %swap3A_515 {strides = array<i32>} : memref<200x64xf32, #tpu.memory_space<vmem>>, vector<1x16xf32>,
      %swap3A_516 = arith.constant 18 : i32
      %swap3A_517 = arith.index_cast %swap3A_516 : i32 to index
      %swap3A_518 = arith.constant 16 : index
      %swap3A_519 = tpu.vector_load %arg10[%swap3A_517, %swap3A_518] {strides = array<i32>} : memref<200x64xf32, #tpu.memory_space<vmem>>, vector<1x16xf32>,
      %swap3A_520 = vector.shape_cast %swap3A_519 : vector<1x16xf32> to vector<16xf32>
      %swap3A_521 = vector.shape_cast %get3A_51 : vector<16xf32> to vector<1x16xf32>
      tpu.vector_store %arg10[%swap3A_517, %swap3A_518], %swap3A_521 {strides = array<i32>} : memref<200x64xf32, #tpu.memory_space<vmem>>, vector<1x16xf32>,
      %swap3A_522 = arith.constant 18 : i32
      %swap3A_523 = arith.index_cast %swap3A_522 : i32 to index
      %swap3A_524 = arith.constant 32 : index
      %swap3A_525 = tpu.vector_load %arg10[%swap3A_523, %swap3A_524] {strides = array<i32>} : memref<200x64xf32, #tpu.memory_space<vmem>>, vector<1x16xf32>,
      %swap3A_526 = vector.shape_cast %swap3A_525 : vector<1x16xf32> to vector<16xf32>
      %swap3A_527 = vector.shape_cast %get3A_56 : vector<16xf32> to vector<1x16xf32>
      tpu.vector_store %arg10[%swap3A_523, %swap3A_524], %swap3A_527 {strides = array<i32>} : memref<200x64xf32, #tpu.memory_space<vmem>>, vector<1x16xf32>,
      %swap3A_528 = arith.constant 18 : i32
      %swap3A_529 = arith.index_cast %swap3A_528 : i32 to index
      %swap3A_530 = arith.constant 48 : index
      %swap3A_531 = tpu.vector_load %arg10[%swap3A_529, %swap3A_530] {strides = array<i32>} : memref<200x64xf32, #tpu.memory_space<vmem>>, vector<1x16xf32>,
      %swap3A_532 = vector.shape_cast %swap3A_531 : vector<1x16xf32> to vector<16xf32>
      %swap3A_533 = vector.shape_cast %get3A_61 : vector<16xf32> to vector<1x16xf32>
      tpu.vector_store %arg10[%swap3A_529, %swap3A_530], %swap3A_533 {strides = array<i32>} : memref<200x64xf32, #tpu.memory_space<vmem>>, vector<1x16xf32>,
      %swap3A_534 = arith.constant 19 : i32
      %swap3A_535 = arith.index_cast %swap3A_534 : i32 to index
      %swap3A_536 = arith.constant 0 : index
      %swap3A_537 = tpu.vector_load %arg10[%swap3A_535, %swap3A_536] {strides = array<i32>} : memref<200x64xf32, #tpu.memory_space<vmem>>, vector<1x16xf32>,
      %swap3A_538 = vector.shape_cast %swap3A_537 : vector<1x16xf32> to vector<16xf32>
      %swap3A_539 = vector.shape_cast %get3A_66 : vector<16xf32> to vector<1x16xf32>
      tpu.vector_store %arg10[%swap3A_535, %swap3A_536], %swap3A_539 {strides = array<i32>} : memref<200x64xf32, #tpu.memory_space<vmem>>, vector<1x16xf32>,
      %swap3A_540 = arith.constant 19 : i32
      %swap3A_541 = arith.index_cast %swap3A_540 : i32 to index
      %swap3A_542 = arith.constant 16 : index
      %swap3A_543 = tpu.vector_load %arg10[%swap3A_541, %swap3A_542] {strides = array<i32>} : memref<200x64xf32, #tpu.memory_space<vmem>>, vector<1x16xf32>,
      %swap3A_544 = vector.shape_cast %swap3A_543 : vector<1x16xf32> to vector<16xf32>
      %swap3A_545 = vector.shape_cast %get3A_71 : vector<16xf32> to vector<1x16xf32>
      tpu.vector_store %arg10[%swap3A_541, %swap3A_542], %swap3A_545 {strides = array<i32>} : memref<200x64xf32, #tpu.memory_space<vmem>>, vector<1x16xf32>,
      %swap3A_546 = arith.constant 19 : i32
      %swap3A_547 = arith.index_cast %swap3A_546 : i32 to index
      %swap3A_548 = arith.constant 32 : index
      %swap3A_549 = tpu.vector_load %arg10[%swap3A_547, %swap3A_548] {strides = array<i32>} : memref<200x64xf32, #tpu.memory_space<vmem>>, vector<1x16xf32>,
      %swap3A_550 = vector.shape_cast %swap3A_549 : vector<1x16xf32> to vector<16xf32>
      %swap3A_551 = vector.shape_cast %get3A_76 : vector<16xf32> to vector<1x16xf32>
      tpu.vector_store %arg10[%swap3A_547, %swap3A_548], %swap3A_551 {strides = array<i32>} : memref<200x64xf32, #tpu.memory_space<vmem>>, vector<1x16xf32>,
      %swap3A_552 = arith.constant 19 : i32
      %swap3A_553 = arith.index_cast %swap3A_552 : i32 to index
      %swap3A_554 = arith.constant 48 : index
      %swap3A_555 = tpu.vector_load %arg10[%swap3A_553, %swap3A_554] {strides = array<i32>} : memref<200x64xf32, #tpu.memory_space<vmem>>, vector<1x16xf32>,
      %swap3A_556 = vector.shape_cast %swap3A_555 : vector<1x16xf32> to vector<16xf32>
      %swap3A_557 = vector.shape_cast %get3A_81 : vector<16xf32> to vector<1x16xf32>
      tpu.vector_store %arg10[%swap3A_553, %swap3A_554], %swap3A_557 {strides = array<i32>} : memref<200x64xf32, #tpu.memory_space<vmem>>, vector<1x16xf32>,
      %add3A_558 = arith.addi %mul3A_2, %add3A_437 : i32
      %dma_start3A_559 = arith.constant 0 : i32
      %dma_start3A_560 = arith.constant 0 : i32
      %dma_start3A_561 = tpu.memref_slice %arg5[%add3A_558, %dma_start3A_559, %dma_start3A_560] : memref<4096x200x64xf32, #tpu.memory_space<hbm>> -> memref<1x200x64xf32, #tpu.memory_space<hbm>>
      %dma_start3A_562 = tpu.memref_squeeze %dma_start3A_561 : memref<1x200x64xf32, #tpu.memory_space<hbm>> -> memref<200x64xf32, #tpu.memory_space<hbm>>
      %dma_start3A_563 = arith.constant 0 : i32
      %dma_start3A_564 = arith.constant 0 : i32
      %dma_start3A_565 = tpu.memref_slice %arg5[%add3A_558, %dma_start3A_563, %dma_start3A_564] : memref<4096x200x64xf32, #tpu.memory_space<hbm>> -> memref<1x200x64xf32, #tpu.memory_space<hbm>>
      %dma_start3A_566 = tpu.memref_squeeze %dma_start3A_565 : memref<1x200x64xf32, #tpu.memory_space<hbm>> -> memref<200x64xf32, #tpu.memory_space<hbm>>
      tpu.enqueue_dma source(%arg10 : memref<200x64xf32, #tpu.memory_space<vmem>>) target(%dma_start3A_566 : memref<200x64xf32, #tpu.memory_space<hbm>>) target_semaphore(%arg18 : memref<!tpu.dma_semaphore, #tpu.memory_space<semaphore_mem>>)
      %add3A_567 = arith.constant 2 : i32
      %add3A_568 = arith.addi %add3A_437, %add3A_567 : i32
      %lt3A_569 = arith.constant 128 : i32
      %lt3A_570 = arith.cmpi slt, %add3A_568, %lt3A_569 : i32
      %convert_element_type3A_571 = arith.extui %lt3A_570 : i1 to i32
      %cond3A_572 = arith.constant 0 : i32
      %cond3A_573 = arith.cmpi ne, %convert_element_type3A_571, %cond3A_572 : i32
      scf.if %cond3A_573 {
        %ge3A = arith.constant 2 : i32
        %ge3A_714 = arith.cmpi sge, %add3A_437, %ge3A : i32
        %convert_element_type3A_715 = arith.extui %ge3A_714 : i1 to i32
        %cond3A_716 = arith.constant 0 : i32
        %cond3A_717 = arith.cmpi ne, %convert_element_type3A_715, %cond3A_716 : i32
        scf.if %cond3A_717 {
          %dma_wait3A_738 = arith.constant 0 : i32
          %dma_wait3A_739 = arith.constant 0 : i32
          %dma_wait3A_740 = tpu.memref_slice %arg5[%mul3A_2, %dma_wait3A_738, %dma_wait3A_739] : memref<4096x200x64xf32, #tpu.memory_space<hbm>> -> memref<1x200x64xf32, #tpu.memory_space<hbm>>
          %dma_wait3A_741 = tpu.memref_squeeze %dma_wait3A_740 : memref<1x200x64xf32, #tpu.memory_space<hbm>> -> memref<200x64xf32, #tpu.memory_space<hbm>>
          %dma_wait3A_742 = arith.constant 0 : i32
          %dma_wait3A_743 = arith.constant 0 : i32
          %dma_wait3A_744 = tpu.memref_slice %arg5[%mul3A_2, %dma_wait3A_742, %dma_wait3A_743] : memref<4096x200x64xf32, #tpu.memory_space<hbm>> -> memref<1x200x64xf32, #tpu.memory_space<hbm>>
          %dma_wait3A_745 = tpu.memref_squeeze %dma_wait3A_744 : memref<1x200x64xf32, #tpu.memory_space<hbm>> -> memref<200x64xf32, #tpu.memory_space<hbm>>
          tpu.wait_dma2 semaphore(%arg16 : memref<!tpu.dma_semaphore, #tpu.memory_space<semaphore_mem>>) src(%arg8 : memref<200x64xf32, #tpu.memory_space<vmem>>) dst(%dma_wait3A_745 : memref<200x64xf32, #tpu.memory_space<hbm>>)
        } else {
        }
        %add3A_718 = arith.constant 2 : i32
        %add3A_719 = arith.addi %add3A_437, %add3A_718 : i32
        %dma_start3A_720 = arith.constant 16 : i32
        %dma_start3A_721 = arith.constant 0 : i32
        %dma_start3A_722 = tpu.memref_slice %arg8[%dma_start3A_720, %dma_start3A_721] : memref<200x64xf32, #tpu.memory_space<vmem>> -> memref<96x64xf32, #tpu.memory_space<vmem>>
        %dma_start3A_723 = arith.constant 0 : i32
        %dma_start3A_724 = tpu.memref_slice %arg6[%add3A_719, %dma_start3A_723] : memref<128x184xi32, #tpu.memory_space<vmem>> -> memref<1x96xi32, #tpu.memory_space<vmem>>
        %dma_start3A_725 = tpu.memref_squeeze %dma_start3A_724 : memref<1x96xi32, #tpu.memory_space<vmem>> -> memref<96xi32, #tpu.memory_space<vmem>>
        %dma_start3A_726 = arith.constant 0 : i32
        %dma_start3A_727 = arith.constant 0 : i32
        %dma_start3A_728 = tpu.memref_slice %arg3[%dma_start3A_726, %dma_start3A_727] : memref<100000x64xf32, #tpu.memory_space<hbm>> -> memref<100000x64xf32, #tpu.memory_space<hbm>>
        tpu.enqueue_indirect_dma source(%dma_start3A_728 : memref<100000x64xf32, #tpu.memory_space<hbm>>) target(%dma_start3A_722 : memref<96x64xf32, #tpu.memory_space<vmem>>) offsets(%dma_start3A_725 : memref<96xi32, #tpu.memory_space<vmem>>) semaphore(%arg12 : memref<!tpu.dma_semaphore, #tpu.memory_space<semaphore_mem>>)
        %dma_start3A_729 = arith.constant 112 : i32
        %dma_start3A_730 = arith.constant 0 : i32
        %dma_start3A_731 = tpu.memref_slice %arg8[%dma_start3A_729, %dma_start3A_730] : memref<200x64xf32, #tpu.memory_space<vmem>> -> memref<88x64xf32, #tpu.memory_space<vmem>>
        %dma_start3A_732 = arith.constant 96 : i32
        %dma_start3A_733 = tpu.memref_slice %arg6[%add3A_719, %dma_start3A_732] : memref<128x184xi32, #tpu.memory_space<vmem>> -> memref<1x88xi32, #tpu.memory_space<vmem>>
        %dma_start3A_734 = tpu.memref_squeeze %dma_start3A_733 : memref<1x88xi32, #tpu.memory_space<vmem>> -> memref<88xi32, #tpu.memory_space<vmem>>
        %dma_start3A_735 = arith.constant 0 : i32
        %dma_start3A_736 = arith.constant 0 : i32
        %dma_start3A_737 = tpu.memref_slice %arg3[%dma_start3A_735, %dma_start3A_736] : memref<100000x64xf32, #tpu.memory_space<hbm>> -> memref<100000x64xf32, #tpu.memory_space<hbm>>
        tpu.enqueue_indirect_dma source(%dma_start3A_737 : memref<100000x64xf32, #tpu.memory_space<hbm>>) target(%dma_start3A_731 : memref<88x64xf32, #tpu.memory_space<vmem>>) offsets(%dma_start3A_734 : memref<88xi32, #tpu.memory_space<vmem>>) semaphore(%arg12 : memref<!tpu.dma_semaphore, #tpu.memory_space<semaphore_mem>>)
      } else {
      }
      %mul3A_574 = arith.constant 4 : i32
      %mul3A_575 = arith.muli %scan3A_157, %mul3A_574 : i32
      %add3A_576 = arith.constant 3 : i32
      %add3A_577 = arith.addi %mul3A_575, %add3A_576 : i32
      %dma_wait3A_578 = arith.constant 16 : i32
      %dma_wait3A_579 = arith.constant 0 : i32
      %dma_wait3A_580 = tpu.memref_slice %arg11[%dma_wait3A_578, %dma_wait3A_579] : memref<200x64xf32, #tpu.memory_space<vmem>> -> memref<96x64xf32, #tpu.memory_space<vmem>>
      %dma_wait3A_581 = arith.constant 0 : i32
      %dma_wait3A_582 = arith.constant 0 : i32
      %dma_wait3A_583 = tpu.memref_slice %arg3[%dma_wait3A_581, %dma_wait3A_582] : memref<100000x64xf32, #tpu.memory_space<hbm>> -> memref<96x64xf32, #tpu.memory_space<hbm>>
      %dma_wait3A_584 = arith.constant 16 : i32
      %dma_wait3A_585 = arith.constant 0 : i32
      %dma_wait3A_586 = tpu.memref_slice %arg11[%dma_wait3A_584, %dma_wait3A_585] : memref<200x64xf32, #tpu.memory_space<vmem>> -> memref<96x64xf32, #tpu.memory_space<vmem>>
      %dma_wait3A_587 = arith.constant 0 : i32
      %dma_wait3A_588 = arith.constant 0 : i32
      %dma_wait3A_589 = tpu.memref_slice %arg3[%dma_wait3A_587, %dma_wait3A_588] : memref<100000x64xf32, #tpu.memory_space<hbm>> -> memref<96x64xf32, #tpu.memory_space<hbm>>
      tpu.wait_dma2 semaphore(%arg15 : memref<!tpu.dma_semaphore, #tpu.memory_space<semaphore_mem>>) src(%dma_wait3A_589 : memref<96x64xf32, #tpu.memory_space<hbm>>) dst(%dma_wait3A_586 : memref<96x64xf32, #tpu.memory_space<vmem>>)
      %dma_wait3A_590 = arith.constant 112 : i32
      %dma_wait3A_591 = arith.constant 0 : i32
      %dma_wait3A_592 = tpu.memref_slice %arg11[%dma_wait3A_590, %dma_wait3A_591] : memref<200x64xf32, #tpu.memory_space<vmem>> -> memref<88x64xf32, #tpu.memory_space<vmem>>
      %dma_wait3A_593 = arith.constant 0 : i32
      %dma_wait3A_594 = arith.constant 0 : i32
      %dma_wait3A_595 = tpu.memref_slice %arg3[%dma_wait3A_593, %dma_wait3A_594] : memref<100000x64xf32, #tpu.memory_space<hbm>> -> memref<88x64xf32, #tpu.memory_space<hbm>>
      %dma_wait3A_596 = arith.constant 112 : i32
      %dma_wait3A_597 = arith.constant 0 : i32
      %dma_wait3A_598 = tpu.memref_slice %arg11[%dma_wait3A_596, %dma_wait3A_597] : memref<200x64xf32, #tpu.memory_space<vmem>> -> memref<88x64xf32, #tpu.memory_space<vmem>>
      %dma_wait3A_599 = arith.constant 0 : i32
      %dma_wait3A_600 = arith.constant 0 : i32
      %dma_wait3A_601 = tpu.memref_slice %arg3[%dma_wait3A_599, %dma_wait3A_600] : memref<100000x64xf32, #tpu.memory_space<hbm>> -> memref<88x64xf32, #tpu.memory_space<hbm>>
      tpu.wait_dma2 semaphore(%arg15 : memref<!tpu.dma_semaphore, #tpu.memory_space<semaphore_mem>>) src(%dma_wait3A_601 : memref<88x64xf32, #tpu.memory_space<hbm>>) dst(%dma_wait3A_598 : memref<88x64xf32, #tpu.memory_space<vmem>>)
      %swap3A_602 = arith.constant 16 : i32
      %swap3A_603 = arith.index_cast %swap3A_602 : i32 to index
      %swap3A_604 = arith.constant 0 : index
      %swap3A_605 = tpu.vector_load %arg11[%swap3A_603, %swap3A_604] {strides = array<i32>} : memref<200x64xf32, #tpu.memory_space<vmem>>, vector<1x16xf32>,
      %swap3A_606 = vector.shape_cast %swap3A_605 : vector<1x16xf32> to vector<16xf32>
      %swap3A_607 = vector.shape_cast %get3A_6 : vector<16xf32> to vector<1x16xf32>
      tpu.vector_store %arg11[%swap3A_603, %swap3A_604], %swap3A_607 {strides = array<i32>} : memref<200x64xf32, #tpu.memory_space<vmem>>, vector<1x16xf32>,
      %swap3A_608 = arith.constant 16 : i32
      %swap3A_609 = arith.index_cast %swap3A_608 : i32 to index
      %swap3A_610 = arith.constant 16 : index
      %swap3A_611 = tpu.vector_load %arg11[%swap3A_609, %swap3A_610] {strides = array<i32>} : memref<200x64xf32, #tpu.memory_space<vmem>>, vector<1x16xf32>,
      %swap3A_612 = vector.shape_cast %swap3A_611 : vector<1x16xf32> to vector<16xf32>
      %swap3A_613 = vector.shape_cast %get3A_11 : vector<16xf32> to vector<1x16xf32>
      tpu.vector_store %arg11[%swap3A_609, %swap3A_610], %swap3A_613 {strides = array<i32>} : memref<200x64xf32, #tpu.memory_space<vmem>>, vector<1x16xf32>,
      %swap3A_614 = arith.constant 16 : i32
      %swap3A_615 = arith.index_cast %swap3A_614 : i32 to index
      %swap3A_616 = arith.constant 32 : index
      %swap3A_617 = tpu.vector_load %arg11[%swap3A_615, %swap3A_616] {strides = array<i32>} : memref<200x64xf32, #tpu.memory_space<vmem>>, vector<1x16xf32>,
      %swap3A_618 = vector.shape_cast %swap3A_617 : vector<1x16xf32> to vector<16xf32>
      %swap3A_619 = vector.shape_cast %get3A_16 : vector<16xf32> to vector<1x16xf32>
      tpu.vector_store %arg11[%swap3A_615, %swap3A_616], %swap3A_619 {strides = array<i32>} : memref<200x64xf32, #tpu.memory_space<vmem>>, vector<1x16xf32>,
      %swap3A_620 = arith.constant 16 : i32
      %swap3A_621 = arith.index_cast %swap3A_620 : i32 to index
      %swap3A_622 = arith.constant 48 : index
      %swap3A_623 = tpu.vector_load %arg11[%swap3A_621, %swap3A_622] {strides = array<i32>} : memref<200x64xf32, #tpu.memory_space<vmem>>, vector<1x16xf32>,
      %swap3A_624 = vector.shape_cast %swap3A_623 : vector<1x16xf32> to vector<16xf32>
      %swap3A_625 = vector.shape_cast %get3A_21 : vector<16xf32> to vector<1x16xf32>
      tpu.vector_store %arg11[%swap3A_621, %swap3A_622], %swap3A_625 {strides = array<i32>} : memref<200x64xf32, #tpu.memory_space<vmem>>, vector<1x16xf32>,
      %swap3A_626 = arith.constant 17 : i32
      %swap3A_627 = arith.index_cast %swap3A_626 : i32 to index
      %swap3A_628 = arith.constant 0 : index
      %swap3A_629 = tpu.vector_load %arg11[%swap3A_627, %swap3A_628] {strides = array<i32>} : memref<200x64xf32, #tpu.memory_space<vmem>>, vector<1x16xf32>,
      %swap3A_630 = vector.shape_cast %swap3A_629 : vector<1x16xf32> to vector<16xf32>
      %swap3A_631 = vector.shape_cast %get3A_26 : vector<16xf32> to vector<1x16xf32>
      tpu.vector_store %arg11[%swap3A_627, %swap3A_628], %swap3A_631 {strides = array<i32>} : memref<200x64xf32, #tpu.memory_space<vmem>>, vector<1x16xf32>,
      %swap3A_632 = arith.constant 17 : i32
      %swap3A_633 = arith.index_cast %swap3A_632 : i32 to index
      %swap3A_634 = arith.constant 16 : index
      %swap3A_635 = tpu.vector_load %arg11[%swap3A_633, %swap3A_634] {strides = array<i32>} : memref<200x64xf32, #tpu.memory_space<vmem>>, vector<1x16xf32>,
      %swap3A_636 = vector.shape_cast %swap3A_635 : vector<1x16xf32> to vector<16xf32>
      %swap3A_637 = vector.shape_cast %get3A_31 : vector<16xf32> to vector<1x16xf32>
      tpu.vector_store %arg11[%swap3A_633, %swap3A_634], %swap3A_637 {strides = array<i32>} : memref<200x64xf32, #tpu.memory_space<vmem>>, vector<1x16xf32>,
      %swap3A_638 = arith.constant 17 : i32
      %swap3A_639 = arith.index_cast %swap3A_638 : i32 to index
      %swap3A_640 = arith.constant 32 : index
      %swap3A_641 = tpu.vector_load %arg11[%swap3A_639, %swap3A_640] {strides = array<i32>} : memref<200x64xf32, #tpu.memory_space<vmem>>, vector<1x16xf32>,
      %swap3A_642 = vector.shape_cast %swap3A_641 : vector<1x16xf32> to vector<16xf32>
      %swap3A_643 = vector.shape_cast %get3A_36 : vector<16xf32> to vector<1x16xf32>
      tpu.vector_store %arg11[%swap3A_639, %swap3A_640], %swap3A_643 {strides = array<i32>} : memref<200x64xf32, #tpu.memory_space<vmem>>, vector<1x16xf32>,
      %swap3A_644 = arith.constant 17 : i32
      %swap3A_645 = arith.index_cast %swap3A_644 : i32 to index
      %swap3A_646 = arith.constant 48 : index
      %swap3A_647 = tpu.vector_load %arg11[%swap3A_645, %swap3A_646] {strides = array<i32>} : memref<200x64xf32, #tpu.memory_space<vmem>>, vector<1x16xf32>,
      %swap3A_648 = vector.shape_cast %swap3A_647 : vector<1x16xf32> to vector<16xf32>
      %swap3A_649 = vector.shape_cast %get3A_41 : vector<16xf32> to vector<1x16xf32>
      tpu.vector_store %arg11[%swap3A_645, %swap3A_646], %swap3A_649 {strides = array<i32>} : memref<200x64xf32, #tpu.memory_space<vmem>>, vector<1x16xf32>,
      %swap3A_650 = arith.constant 18 : i32
      %swap3A_651 = arith.index_cast %swap3A_650 : i32 to index
      %swap3A_652 = arith.constant 0 : index
      %swap3A_653 = tpu.vector_load %arg11[%swap3A_651, %swap3A_652] {strides = array<i32>} : memref<200x64xf32, #tpu.memory_space<vmem>>, vector<1x16xf32>,
      %swap3A_654 = vector.shape_cast %swap3A_653 : vector<1x16xf32> to vector<16xf32>
      %swap3A_655 = vector.shape_cast %get3A_46 : vector<16xf32> to vector<1x16xf32>
      tpu.vector_store %arg11[%swap3A_651, %swap3A_652], %swap3A_655 {strides = array<i32>} : memref<200x64xf32, #tpu.memory_space<vmem>>, vector<1x16xf32>,
      %swap3A_656 = arith.constant 18 : i32
      %swap3A_657 = arith.index_cast %swap3A_656 : i32 to index
      %swap3A_658 = arith.constant 16 : index
      %swap3A_659 = tpu.vector_load %arg11[%swap3A_657, %swap3A_658] {strides = array<i32>} : memref<200x64xf32, #tpu.memory_space<vmem>>, vector<1x16xf32>,
      %swap3A_660 = vector.shape_cast %swap3A_659 : vector<1x16xf32> to vector<16xf32>
      %swap3A_661 = vector.shape_cast %get3A_51 : vector<16xf32> to vector<1x16xf32>
      tpu.vector_store %arg11[%swap3A_657, %swap3A_658], %swap3A_661 {strides = array<i32>} : memref<200x64xf32, #tpu.memory_space<vmem>>, vector<1x16xf32>,
      %swap3A_662 = arith.constant 18 : i32
      %swap3A_663 = arith.index_cast %swap3A_662 : i32 to index
      %swap3A_664 = arith.constant 32 : index
      %swap3A_665 = tpu.vector_load %arg11[%swap3A_663, %swap3A_664] {strides = array<i32>} : memref<200x64xf32, #tpu.memory_space<vmem>>, vector<1x16xf32>,
      %swap3A_666 = vector.shape_cast %swap3A_665 : vector<1x16xf32> to vector<16xf32>
      %swap3A_667 = vector.shape_cast %get3A_56 : vector<16xf32> to vector<1x16xf32>
      tpu.vector_store %arg11[%swap3A_663, %swap3A_664], %swap3A_667 {strides = array<i32>} : memref<200x64xf32, #tpu.memory_space<vmem>>, vector<1x16xf32>,
      %swap3A_668 = arith.constant 18 : i32
      %swap3A_669 = arith.index_cast %swap3A_668 : i32 to index
      %swap3A_670 = arith.constant 48 : index
      %swap3A_671 = tpu.vector_load %arg11[%swap3A_669, %swap3A_670] {strides = array<i32>} : memref<200x64xf32, #tpu.memory_space<vmem>>, vector<1x16xf32>,
      %swap3A_672 = vector.shape_cast %swap3A_671 : vector<1x16xf32> to vector<16xf32>
      %swap3A_673 = vector.shape_cast %get3A_61 : vector<16xf32> to vector<1x16xf32>
      tpu.vector_store %arg11[%swap3A_669, %swap3A_670], %swap3A_673 {strides = array<i32>} : memref<200x64xf32, #tpu.memory_space<vmem>>, vector<1x16xf32>,
      %swap3A_674 = arith.constant 19 : i32
      %swap3A_675 = arith.index_cast %swap3A_674 : i32 to index
      %swap3A_676 = arith.constant 0 : index
      %swap3A_677 = tpu.vector_load %arg11[%swap3A_675, %swap3A_676] {strides = array<i32>} : memref<200x64xf32, #tpu.memory_space<vmem>>, vector<1x16xf32>,
      %swap3A_678 = vector.shape_cast %swap3A_677 : vector<1x16xf32> to vector<16xf32>
      %swap3A_679 = vector.shape_cast %get3A_66 : vector<16xf32> to vector<1x16xf32>
      tpu.vector_store %arg11[%swap3A_675, %swap3A_676], %swap3A_679 {strides = array<i32>} : memref<200x64xf32, #tpu.memory_space<vmem>>, vector<1x16xf32>,
      %swap3A_680 = arith.constant 19 : i32
      %swap3A_681 = arith.index_cast %swap3A_680 : i32 to index
      %swap3A_682 = arith.constant 16 : index
      %swap3A_683 = tpu.vector_load %arg11[%swap3A_681, %swap3A_682] {strides = array<i32>} : memref<200x64xf32, #tpu.memory_space<vmem>>, vector<1x16xf32>,
      %swap3A_684 = vector.shape_cast %swap3A_683 : vector<1x16xf32> to vector<16xf32>
      %swap3A_685 = vector.shape_cast %get3A_71 : vector<16xf32> to vector<1x16xf32>
      tpu.vector_store %arg11[%swap3A_681, %swap3A_682], %swap3A_685 {strides = array<i32>} : memref<200x64xf32, #tpu.memory_space<vmem>>, vector<1x16xf32>,
      %swap3A_686 = arith.constant 19 : i32
      %swap3A_687 = arith.index_cast %swap3A_686 : i32 to index
      %swap3A_688 = arith.constant 32 : index
      %swap3A_689 = tpu.vector_load %arg11[%swap3A_687, %swap3A_688] {strides = array<i32>} : memref<200x64xf32, #tpu.memory_space<vmem>>, vector<1x16xf32>,
      %swap3A_690 = vector.shape_cast %swap3A_689 : vector<1x16xf32> to vector<16xf32>
      %swap3A_691 = vector.shape_cast %get3A_76 : vector<16xf32> to vector<1x16xf32>
      tpu.vector_store %arg11[%swap3A_687, %swap3A_688], %swap3A_691 {strides = array<i32>} : memref<200x64xf32, #tpu.memory_space<vmem>>, vector<1x16xf32>,
      %swap3A_692 = arith.constant 19 : i32
      %swap3A_693 = arith.index_cast %swap3A_692 : i32 to index
      %swap3A_694 = arith.constant 48 : index
      %swap3A_695 = tpu.vector_load %arg11[%swap3A_693, %swap3A_694] {strides = array<i32>} : memref<200x64xf32, #tpu.memory_space<vmem>>, vector<1x16xf32>,
      %swap3A_696 = vector.shape_cast %swap3A_695 : vector<1x16xf32> to vector<16xf32>
      %swap3A_697 = vector.shape_cast %get3A_81 : vector<16xf32> to vector<1x16xf32>
      tpu.vector_store %arg11[%swap3A_693, %swap3A_694], %swap3A_697 {strides = array<i32>} : memref<200x64xf32, #tpu.memory_space<vmem>>, vector<1x16xf32>,
      %add3A_698 = arith.addi %mul3A_2, %add3A_577 : i32
      %dma_start3A_699 = arith.constant 0 : i32
      %dma_start3A_700 = arith.constant 0 : i32
      %dma_start3A_701 = tpu.memref_slice %arg5[%add3A_698, %dma_start3A_699, %dma_start3A_700] : memref<4096x200x64xf32, #tpu.memory_space<hbm>> -> memref<1x200x64xf32, #tpu.memory_space<hbm>>
      %dma_start3A_702 = tpu.memref_squeeze %dma_start3A_701 : memref<1x200x64xf32, #tpu.memory_space<hbm>> -> memref<200x64xf32, #tpu.memory_space<hbm>>
      %dma_start3A_703 = arith.constant 0 : i32
      %dma_start3A_704 = arith.constant 0 : i32
      %dma_start3A_705 = tpu.memref_slice %arg5[%add3A_698, %dma_start3A_703, %dma_start3A_704] : memref<4096x200x64xf32, #tpu.memory_space<hbm>> -> memref<1x200x64xf32, #tpu.memory_space<hbm>>
      %dma_start3A_706 = tpu.memref_squeeze %dma_start3A_705 : memref<1x200x64xf32, #tpu.memory_space<hbm>> -> memref<200x64xf32, #tpu.memory_space<hbm>>
      tpu.enqueue_dma source(%arg11 : memref<200x64xf32, #tpu.memory_space<vmem>>) target(%dma_start3A_706 : memref<200x64xf32, #tpu.memory_space<hbm>>) target_semaphore(%arg19 : memref<!tpu.dma_semaphore, #tpu.memory_space<semaphore_mem>>)
      %add3A_707 = arith.constant 2 : i32
      %add3A_708 = arith.addi %add3A_577, %add3A_707 : i32
      %lt3A_709 = arith.constant 128 : i32
      %lt3A_710 = arith.cmpi slt, %add3A_708, %lt3A_709 : i32
      %convert_element_type3A_711 = arith.extui %lt3A_710 : i1 to i32
      %cond3A_712 = arith.constant 0 : i32
      %cond3A_713 = arith.cmpi ne, %convert_element_type3A_711, %cond3A_712 : i32
      scf.if %cond3A_713 {
        %ge3A = arith.constant 2 : i32
        %ge3A_714 = arith.cmpi sge, %add3A_577, %ge3A : i32
        %convert_element_type3A_715 = arith.extui %ge3A_714 : i1 to i32
        %cond3A_716 = arith.constant 0 : i32
        %cond3A_717 = arith.cmpi ne, %convert_element_type3A_715, %cond3A_716 : i32
        scf.if %cond3A_717 {
          %dma_wait3A_738 = arith.constant 0 : i32
          %dma_wait3A_739 = arith.constant 0 : i32
          %dma_wait3A_740 = tpu.memref_slice %arg5[%mul3A_2, %dma_wait3A_738, %dma_wait3A_739] : memref<4096x200x64xf32, #tpu.memory_space<hbm>> -> memref<1x200x64xf32, #tpu.memory_space<hbm>>
          %dma_wait3A_741 = tpu.memref_squeeze %dma_wait3A_740 : memref<1x200x64xf32, #tpu.memory_space<hbm>> -> memref<200x64xf32, #tpu.memory_space<hbm>>
          %dma_wait3A_742 = arith.constant 0 : i32
          %dma_wait3A_743 = arith.constant 0 : i32
          %dma_wait3A_744 = tpu.memref_slice %arg5[%mul3A_2, %dma_wait3A_742, %dma_wait3A_743] : memref<4096x200x64xf32, #tpu.memory_space<hbm>> -> memref<1x200x64xf32, #tpu.memory_space<hbm>>
          %dma_wait3A_745 = tpu.memref_squeeze %dma_wait3A_744 : memref<1x200x64xf32, #tpu.memory_space<hbm>> -> memref<200x64xf32, #tpu.memory_space<hbm>>
          tpu.wait_dma2 semaphore(%arg17 : memref<!tpu.dma_semaphore, #tpu.memory_space<semaphore_mem>>) src(%arg9 : memref<200x64xf32, #tpu.memory_space<vmem>>) dst(%dma_wait3A_745 : memref<200x64xf32, #tpu.memory_space<hbm>>)
        } else {
        }
        %add3A_718 = arith.constant 2 : i32
        %add3A_719 = arith.addi %add3A_577, %add3A_718 : i32
        %dma_start3A_720 = arith.constant 16 : i32
        %dma_start3A_721 = arith.constant 0 : i32
        %dma_start3A_722 = tpu.memref_slice %arg9[%dma_start3A_720, %dma_start3A_721] : memref<200x64xf32, #tpu.memory_space<vmem>> -> memref<96x64xf32, #tpu.memory_space<vmem>>
        %dma_start3A_723 = arith.constant 0 : i32
        %dma_start3A_724 = tpu.memref_slice %arg6[%add3A_719, %dma_start3A_723] : memref<128x184xi32, #tpu.memory_space<vmem>> -> memref<1x96xi32, #tpu.memory_space<vmem>>
        %dma_start3A_725 = tpu.memref_squeeze %dma_start3A_724 : memref<1x96xi32, #tpu.memory_space<vmem>> -> memref<96xi32, #tpu.memory_space<vmem>>
        %dma_start3A_726 = arith.constant 0 : i32
        %dma_start3A_727 = arith.constant 0 : i32
        %dma_start3A_728 = tpu.memref_slice %arg3[%dma_start3A_726, %dma_start3A_727] : memref<100000x64xf32, #tpu.memory_space<hbm>> -> memref<100000x64xf32, #tpu.memory_space<hbm>>
        tpu.enqueue_indirect_dma source(%dma_start3A_728 : memref<100000x64xf32, #tpu.memory_space<hbm>>) target(%dma_start3A_722 : memref<96x64xf32, #tpu.memory_space<vmem>>) offsets(%dma_start3A_725 : memref<96xi32, #tpu.memory_space<vmem>>) semaphore(%arg13 : memref<!tpu.dma_semaphore, #tpu.memory_space<semaphore_mem>>)
        %dma_start3A_729 = arith.constant 112 : i32
        %dma_start3A_730 = arith.constant 0 : i32
        %dma_start3A_731 = tpu.memref_slice %arg9[%dma_start3A_729, %dma_start3A_730] : memref<200x64xf32, #tpu.memory_space<vmem>> -> memref<88x64xf32, #tpu.memory_space<vmem>>
        %dma_start3A_732 = arith.constant 96 : i32
        %dma_start3A_733 = tpu.memref_slice %arg6[%add3A_719, %dma_start3A_732] : memref<128x184xi32, #tpu.memory_space<vmem>> -> memref<1x88xi32, #tpu.memory_space<vmem>>
        %dma_start3A_734 = tpu.memref_squeeze %dma_start3A_733 : memref<1x88xi32, #tpu.memory_space<vmem>> -> memref<88xi32, #tpu.memory_space<vmem>>
        %dma_start3A_735 = arith.constant 0 : i32
        %dma_start3A_736 = arith.constant 0 : i32
        %dma_start3A_737 = tpu.memref_slice %arg3[%dma_start3A_735, %dma_start3A_736] : memref<100000x64xf32, #tpu.memory_space<hbm>> -> memref<100000x64xf32, #tpu.memory_space<hbm>>
        tpu.enqueue_indirect_dma source(%dma_start3A_737 : memref<100000x64xf32, #tpu.memory_space<hbm>>) target(%dma_start3A_731 : memref<88x64xf32, #tpu.memory_space<vmem>>) offsets(%dma_start3A_734 : memref<88xi32, #tpu.memory_space<vmem>>) semaphore(%arg13 : memref<!tpu.dma_semaphore, #tpu.memory_space<semaphore_mem>>)
      } else {
      }
    }
    %scan3A_125 = arith.constant 32 : i32
    %dma_wait3A = arith.constant 0 : i32
    %dma_wait3A_126 = arith.constant 0 : i32
    %dma_wait3A_127 = tpu.memref_slice %arg5[%mul3A_2, %dma_wait3A, %dma_wait3A_126] : memref<4096x200x64xf32, #tpu.memory_space<hbm>> -> memref<1x200x64xf32, #tpu.memory_space<hbm>>
    %dma_wait3A_128 = tpu.memref_squeeze %dma_wait3A_127 : memref<1x200x64xf32, #tpu.memory_space<hbm>> -> memref<200x64xf32, #tpu.memory_space<hbm>>
    %dma_wait3A_129 = arith.constant 0 : i32
    %dma_wait3A_130 = arith.constant 0 : i32
    %dma_wait3A_131 = tpu.memref_slice %arg5[%mul3A_2, %dma_wait3A_129, %dma_wait3A_130] : memref<4096x200x64xf32, #tpu.memory_space<hbm>> -> memref<1x200x64xf32, #tpu.memory_space<hbm>>
    %dma_wait3A_132 = tpu.memref_squeeze %dma_wait3A_131 : memref<1x200x64xf32, #tpu.memory_space<hbm>> -> memref<200x64xf32, #tpu.memory_space<hbm>>
    tpu.wait_dma2 semaphore(%arg16 : memref<!tpu.dma_semaphore, #tpu.memory_space<semaphore_mem>>) src(%arg8 : memref<200x64xf32, #tpu.memory_space<vmem>>) dst(%dma_wait3A_132 : memref<200x64xf32, #tpu.memory_space<hbm>>)
    %dma_wait3A_133 = arith.constant 0 : i32
    %dma_wait3A_134 = arith.constant 0 : i32
    %dma_wait3A_135 = tpu.memref_slice %arg5[%mul3A_2, %dma_wait3A_133, %dma_wait3A_134] : memref<4096x200x64xf32, #tpu.memory_space<hbm>> -> memref<1x200x64xf32, #tpu.memory_space<hbm>>
    %dma_wait3A_136 = tpu.memref_squeeze %dma_wait3A_135 : memref<1x200x64xf32, #tpu.memory_space<hbm>> -> memref<200x64xf32, #tpu.memory_space<hbm>>
    %dma_wait3A_137 = arith.constant 0 : i32
    %dma_wait3A_138 = arith.constant 0 : i32
    %dma_wait3A_139 = tpu.memref_slice %arg5[%mul3A_2, %dma_wait3A_137, %dma_wait3A_138] : memref<4096x200x64xf32, #tpu.memory_space<hbm>> -> memref<1x200x64xf32, #tpu.memory_space<hbm>>
    %dma_wait3A_140 = tpu.memref_squeeze %dma_wait3A_139 : memref<1x200x64xf32, #tpu.memory_space<hbm>> -> memref<200x64xf32, #tpu.memory_space<hbm>>
    tpu.wait_dma2 semaphore(%arg17 : memref<!tpu.dma_semaphore, #tpu.memory_space<semaphore_mem>>) src(%arg9 : memref<200x64xf32, #tpu.memory_space<vmem>>) dst(%dma_wait3A_140 : memref<200x64xf32, #tpu.memory_space<hbm>>)
    %dma_wait3A_141 = arith.constant 0 : i32
    %dma_wait3A_142 = arith.constant 0 : i32
    %dma_wait3A_143 = tpu.memref_slice %arg5[%mul3A_2, %dma_wait3A_141, %dma_wait3A_142] : memref<4096x200x64xf32, #tpu.memory_space<hbm>> -> memref<1x200x64xf32, #tpu.memory_space<hbm>>
    %dma_wait3A_144 = tpu.memref_squeeze %dma_wait3A_143 : memref<1x200x64xf32, #tpu.memory_space<hbm>> -> memref<200x64xf32, #tpu.memory_space<hbm>>
    %dma_wait3A_145 = arith.constant 0 : i32
    %dma_wait3A_146 = arith.constant 0 : i32
    %dma_wait3A_147 = tpu.memref_slice %arg5[%mul3A_2, %dma_wait3A_145, %dma_wait3A_146] : memref<4096x200x64xf32, #tpu.memory_space<hbm>> -> memref<1x200x64xf32, #tpu.memory_space<hbm>>
    %dma_wait3A_148 = tpu.memref_squeeze %dma_wait3A_147 : memref<1x200x64xf32, #tpu.memory_space<hbm>> -> memref<200x64xf32, #tpu.memory_space<hbm>>
    tpu.wait_dma2 semaphore(%arg18 : memref<!tpu.dma_semaphore, #tpu.memory_space<semaphore_mem>>) src(%arg10 : memref<200x64xf32, #tpu.memory_space<vmem>>) dst(%dma_wait3A_148 : memref<200x64xf32, #tpu.memory_space<hbm>>)
    %dma_wait3A_149 = arith.constant 0 : i32
    %dma_wait3A_150 = arith.constant 0 : i32
    %dma_wait3A_151 = tpu.memref_slice %arg5[%mul3A_2, %dma_wait3A_149, %dma_wait3A_150] : memref<4096x200x64xf32, #tpu.memory_space<hbm>> -> memref<1x200x64xf32, #tpu.memory_space<hbm>>
    %dma_wait3A_152 = tpu.memref_squeeze %dma_wait3A_151 : memref<1x200x64xf32, #tpu.memory_space<hbm>> -> memref<200x64xf32, #tpu.memory_space<hbm>>
    %dma_wait3A_153 = arith.constant 0 : i32
    %dma_wait3A_154 = arith.constant 0 : i32
    %dma_wait3A_155 = tpu.memref_slice %arg5[%mul3A_2, %dma_wait3A_153, %dma_wait3A_154] : memref<4096x200x64xf32, #tpu.memory_space<hbm>> -> memref<1x200x64xf32, #tpu.memory_space<hbm>>
    %dma_wait3A_156 = tpu.memref_squeeze %dma_wait3A_155 : memref<1x200x64xf32, #tpu.memory_space<hbm>> -> memref<200x64xf32, #tpu.memory_space<hbm>>
    tpu.wait_dma2 semaphore(%arg19 : memref<!tpu.dma_semaphore, #tpu.memory_space<semaphore_mem>>) src(%arg11 : memref<200x64xf32, #tpu.memory_space<vmem>>) dst(%dma_wait3A_156 : memref<200x64xf32, #tpu.memory_space<hbm>>)
    return
  }
}

</mosaic_0001>

<sc_bundles>
// kernel: _run.3.cloned.1.call-start
scs
__scs_entry_jumppad:
0x0: {  	(pc) =	sbr.rel $0x88, $3  }
0x1: {  	(tag) =	ssettag $0x0;
	lr =	simm.s32 $0x1  }
0x2: {  	[smem:$0x3F9E] =	sst lr;
	_ =	strace $0xD0000000  }
0x3: {  	_ = 	snop  }
0x4: {  	_ = 	snop  }
0x5: {  	_ = 	snop  }
0x6: {  	_ = 	snop  }
0x7: {  	_ = 	snop  }
__scs_overlays_trampoline_lowered:
0x8: {  	[smem:$0x3FAD] =	sst s0  }
0x9: {  	[smem:$0x3FAE] =	sst s1  }
0xa: {  	[smem:$0x3FAF] =	sst s2  }
0xb: {  	[smem:$0x3FB0] =	sst s3  }
0xc: {  	[smem:$0x3FB1] =	sst s4  }
0xd: {  	[smem:$0x3FB2] =	sst s5  }
0xe: {  	[smem:$0x3FB3] =	sst s6  }
0xf: {  	[smem:$0x3FB4] =	sst s7  }
0x10: {  	[smem:$0x3FB5] =	sst s8  }
0x11: {  	[smem:$0x3FB6] =	sst s9;
	s0 =	simm.s32 @!p0 $0x0  }
0x12: {  	s1 =	sld [smem:$0x3F9C];
	s0 =	simm.s32 @p0 $0x1  }
0x13: {  	[smem:$0x3FB7] =	sst s0;
	s0 =	simm.s32 @!p1 $0x0  }
0x14: {  	s2 =	sld [smem:$0x3F9B];
	s0 =	simm.s32 @p1 $0x1  }
0x15: {  	[smem:$0x3FB8] =	sst s0;
	s0 =	simm.s32 @!p2 $0x0  }
0x16: {  	s3 =	sld [smem:$0x3FDB];
	s0 =	simm.s32 @p2 $0x1  }
0x17: {  	s4 =	simm.s32 $0x1BF5;
	[smem:$0x3FBA] =	sst s0  }
0x18: {  	s0 =	sld [smem:$0x3F9D];
	_ =	swait.ge [sflag:s4], $0x0  }
0x19: {  	s7 =	sld [smem:$0x3F9E]  }
0x1a: {  	s8 =	sadd.s32 $0xFFFFE003, lr  }
0x1b: {  	s9 =	sadd.s32 $0xFFFFFEF7, lr;
	s5 =	simm.s32 $0xFFFFFFFF;
	p2 =	slt.u32 s8, $0xFFFFF086  }
0x1c: {  	p1 =	slt.u32 s9, $0xF7A;
	s5 =	simm.s32 @!p2 $0x0  }
0x1d: {  	s5 =	simm.s32 @p1 $0x1;
	p0 =	seq.s32 s7, s2  }
0x1e: {  	s7 =	smul.u32 @!p0 $0xF7A, s2;
	p2 =	seq.s32 @!p0 s5, $0x0  }
0x1f: {  	s9 =	smul.u32 $0xF7A, s1;
	s8 =	simm.s32 @!p0 $0x1BF5;
	p2 =	por !p2, p0  }
0x20: {  	[sflag:s8] =	ssyncset.s32 @!p0 $0xFFFFF086;
	s6 =	sadd.s32 @!p0 s3, s7;
	s7 =	simm.s32 @!p0 $0x108  }
0x21: {  	s3 =	sadd.s32 s3, s9;
	s6 =	sadd.s32 @!p0 $0x88, s6;
	s7 =	simm.s32 @p2 $0x1082  }
0x22: {  	[simem:s7], [sflag:s8] =	dma.local @!p0 [hbm:s6], $0xF7A  }
0x23: {  	s9 =	sor.u32 $0xD0000000, s2;
	s6 =	simm.s32 $0x108;
	_ =	swait.ge @!p0 [sflag:s8], $0x0  }
0x24: {  	s3 =	sadd.s32 $0x88, s3;
	s6 =	simm.s32 @!p1 $0x1082;
	[sflag:s4] =	ssyncset.s32 $0xFFFFF086  }
0x25: {  	[simem:s6], [sflag:s4] =	dma.local [hbm:s3], $0xF7A  }
0x26: {  	[smem:$0x3F9E] =	sst s1;
	(tag) =	ssettag s2;
	_ =	strace s9  }
0x27: {  	s1 =	sld [smem:$0x3FAE]  }
0x28: {  	s2 =	sld [smem:$0x3FAF]  }
0x29: {  	s4 =	sld [smem:$0x3FB1]  }
0x2a: {  	p0 =	seq.s32 s5, $0x0;
	s5 =	sld [smem:$0x3FB2]  }
0x2b: {  	s6 =	sld [smem:$0x3FB3]  }
0x2c: {  	s7 =	sld [smem:$0x3FB4]  }
0x2d: {  	s3 =	simm.s32 $0x108;
	s8 =	sld [smem:$0x3FB5]  }
0x2e: {  	s3 =	simm.s32 @!p0 $0x1082;
	s9 =	sld [smem:$0x3FB6]  }
0x2f: {  	lr =	sadd.s32 s0, s3;
	s0 =	sld [smem:$0x3FAD]  }
0x30: {  	s3 =	sld [smem:$0x3FB0]  }
0x31: {  	[smem:$0x3FB9] =	sst s10  }
0x32: {  	s10 =	sld [smem:$0x3FB7];
	_ =	sdelay $0x3  }
0x33: {  	p0 =	seq.s32 s10, $0x1;
	s10 =	sld [smem:$0x3FB9];
	_ =	sdelay $0x3  }
0x34: {  	[smem:$0x3FB9] =	sst s10  }
0x35: {  	s10 =	sld [smem:$0x3FB8];
	_ =	sdelay $0x3  }
0x36: {  	p1 =	seq.s32 s10, $0x1;
	s10 =	sld [smem:$0x3FB9];
	_ =	sdelay $0x3  }
0x37: {  	[smem:$0x3FB9] =	sst s10  }
0x38: {  	s10 =	sld [smem:$0x3FBA]  }
0x39: {  	_ = 	snop;
	(pc) =	sbr.ind lr, $3  }
0x3a: {  	_ = 	snop  }
0x3b: {  	_ = 	snop  }
0x3c: {  	p2 =	seq.s32 s10, $0x1;
	s10 =	sld [smem:$0x3FB9]  }
0x3d: {  	_ =	shalt  }
0x3e: {  	_ =	shalt  }
0x3f: {  	_ =	shalt  }
0x40: {  	_ =	shalt  }
0x41: {  	_ =	shalt  }
0x42: {  	_ =	shalt  }
0x43: {  	_ =	shalt  }
0x44: {  	_ =	shalt  }
0x45: {  	_ =	shalt  }
0x46: {  	_ =	shalt  }
0x47: {  	_ =	shalt  }
0x48: {  	_ =	shalt  }
0x49: {  	_ =	shalt  }
0x4a: {  	_ =	shalt  }
0x4b: {  	_ =	shalt  }
0x4c: {  	_ =	shalt  }
0x4d: {  	_ =	shalt  }
0x4e: {  	_ =	shalt  }
0x4f: {  	_ =	shalt  }
0x50: {  	_ =	shalt  }
0x51: {  	_ =	shalt  }
0x52: {  	_ =	shalt  }
0x53: {  	_ =	shalt  }
0x54: {  	_ =	shalt  }
0x55: {  	_ =	shalt  }
0x56: {  	_ =	shalt  }
0x57: {  	_ =	shalt  }
0x58: {  	_ =	shalt  }
0x59: {  	_ =	shalt  }
0x5a: {  	_ =	shalt  }
0x5b: {  	_ =	shalt  }
0x5c: {  	_ =	shalt  }
0x5d: {  	_ =	shalt  }
0x5e: {  	_ =	shalt  }
0x5f: {  	_ =	shalt  }
0x60: {  	_ =	shalt  }
0x61: {  	_ =	shalt  }
0x62: {  	_ =	shalt  }
0x63: {  	_ =	shalt  }
0x64: {  	_ =	shalt  }
0x65: {  	_ =	shalt  }
0x66: {  	_ =	shalt  }
0x67: {  	_ =	shalt  }
0x68: {  	_ =	shalt  }
0x69: {  	_ =	shalt  }
0x6a: {  	_ =	shalt  }
0x6b: {  	_ =	shalt  }
0x6c: {  	_ =	shalt  }
0x6d: {  	_ =	shalt  }
0x6e: {  	_ =	shalt  }
0x6f: {  	_ =	shalt  }
0x70: {  	_ =	shalt  }
0x71: {  	_ =	shalt  }
0x72: {  	_ =	shalt  }
0x73: {  	_ =	shalt  }
0x74: {  	_ =	shalt  }
0x75: {  	_ =	shalt  }
0x76: {  	_ =	shalt  }
0x77: {  	_ =	shalt  }
0x78: {  	_ =	shalt  }
0x79: {  	_ =	shalt  }
0x7a: {  	_ =	shalt  }
0x7b: {  	_ =	shalt  }
0x7c: {  	_ =	shalt  }
0x7d: {  	_ =	shalt  }
0x7e: {  	_ =	shalt  }
0x7f: {  	_ =	shalt  }
0x80: {  	_ =	shalt  }
0x81: {  	_ =	shalt  }
0x82: {  	_ =	shalt  }
0x83: {  	_ =	shalt  }
0x84: {  	_ =	shalt  }
0x85: {  	_ =	shalt  }
0x86: {  	_ =	shalt  }
0x87: {  	_ =	shalt  }
.Lfunc_end0:
.L_simem_size_0:
called_computation.1_lowered:
.L_overlay_start_0:
0x88: {  	s2 =	sld [smem:$0x3FD9]  }
0x89: {  	s3 =	sld [smem:$0x3FFE];
	_ =	sdelay $0x1  }
0x8a: {  	s1 =	srdreg.scid  }
0x8b: {  	s0 =	sand.u32 $0x1, s1  }
0x8c: {  	s17 =	sshll.u32 s0, $0xA;
	s2 =	sadd.s32 s3, s2  }
0x8d: {  	s2 =	sadd.s32 s2, s17  }
0x8e: {  	[smem:$0x3FC5] =	sst s2  }
0x8f: {  	_ = 	snop  }
0x90: {  	s2 =	sld [smem:$0x3FD0];
	(tm) =	ssettm $0x1  }
0x91: {  	s18 =	sld [smem:$0x3FFB];
	_ =	sdelay $0x3  }
0x92: {  	_ =	strace s18  }
0x93: {  	s3 =	sld [smem:$0x3FFC];
	_ =	sdelay $0x3  }
0x94: {  	_ =	strace s3  }
0x95: {  	s3 =	sld [smem:$0x3FFD];
	_ =	sdelay $0x3  }
0x96: {  	_ =	strace s3  }
0x97: {  	_ =	strace $0x8FFFFFFF  }
0x98: {  	s19 =	sld [smem:$0x3FDB];
	_ =	sdelay $0x1  }
0x99: {  	s4 =	simm.s32 $_scs_section_size  }
0x9a: {  	s5 =	simm.s32 $_size__tile_overlayer_lowered;
	s6 =	simm.s32 $_tile_overlayer_lowered  }
0x9b: {  	s22 =	simm.s32 $0x1BFF;
	s21 =	sshll.u32 s6, $0x1;
	s3 =	sadd.s32 s4, s19  }
0x9c: {  	s7 =	simm.s32 $0x0;
	s20 =	sshll.u32 s5, $0x1;
	s5 =	sadd.s32 s21, s3  }
0x9d: {  	[timem:s7], [sflag:s22] =	dma.local [hbm:s5], s20  }
0x9e: {  	_ =	swait.ge [sflag:s22], s20  }
0x9f: {  	s4 =	ssub.s32 $0x0, s20;
	[sflag:s22] =	ssyncset.done $0x0  }
0xa0: {  	[sflag:s22] =	ssyncadd.s32 s4;
	_ =	sdelay $0x1  }
0xa1: {  	s23 =	simm.s32 $0x1B8B  }
0xa2: {  	_ =	swait.ge [sflag:s23], $0x1  }
0xa3: {  	[sflag:s23] =	ssyncset.done $0x0  }
0xa4: {  	s25 =	simm.s32 $0x1B8E;
	s24 =	sld [smem:$0x3FFE];
	[sflag:s23] =	ssyncadd.s32 $0xFFFFFFFF  }
0xa5: {  	s26 =	simm.s32 $execute0_lowered;
	[smem:$0x3FD2] =	sst s25  }
0xa6: {  	s5 =	sshll.u32 s26, $0x1;
	_ =	strace $0x80000046;
	[dreg:$0x1] =	wrdreg $0xFFFFFFFF  }
0xa7: {  	s28 =	simm.s32 $_size_execute0_lowered;
	s3 =	sadd.s32 s3, s5;
	[dreg:$0x0] =	wrdreg $0x0  }
0xa8: {  	s5 =	sshll.u32 s28, $0x1;
	[dreg:$0x2] =	wrdreg s3  }
0xa9: {  	[dreg:$0x3] =	wrdreg s5  }
0xaa: {  	[dreg:$0x4] =	wrdreg $0xC0  }
0xab: {  	_ =	task [dreg:s7], $0x5FFFF  }
0xac: {  	[dreg:$0x1] =	wrdreg $0xFFFFFFFF  }
0xad: {  	[dreg:$0x0] =	wrdreg $0x60  }
0xae: {  	[dreg:$0x2] =	wrdreg s24  }
0xaf: {  	[dreg:$0x3] =	wrdreg s2  }
0xb0: {  	[dreg:$0x4] =	wrdreg $0x9  }
0xb1: {  	_ =	task.clear_ibuf [dreg:s7], $0x5FFFF;
	_ =	strace $0x90000046  }
0xb2: {  	s29 =	simm.s32 $0x9;
	_ =	strace $0x80000048  }
0xb3: {  	_ =	swait.ge [sflag:s29], $0x1  }
0xb4: {  	[sflag:s29] =	ssyncadd.s32 $0xFFFFFFFF  }
0xb5: {  	_ =	strace $0x90000048  }
0xb6: {  	_ =	sfence  }
0xb7: {  	s30 =	sld [smem:$0x0];
	_ =	sdelay $0x2  }
0xb8: {  	s31 =	sshll.u32 s1, $0xD;
	s1 =	sshrl.u32 s1, $0x2  }
0xb9: {  	s3 =	sand.u32 $0x4000, s31;
	s1 =	sadd.s32 s1, s30  }
0xba: {  	s0 =	sor.u32 s3, s0;
	s1 =	sshll.u32 s1, $0x11  }
0xbb: {  	s0 =	sor.u32 s1, s0  }
0xbc: {  	s0 =	sadd.s32 $0x8F2B, s0  }
0xbd: {  	[sflag:s0] =	ssyncadd.remote.s32 $0x1  }
0xbe: {  	_ =	sfence.sel $0xFFFF  }
0xbf: {  	[dreg:$0x0] =	wrdreg $0xFFFFFFFF;
	(pc) =	sbr.abs _section_cstart, $3  }
0xc0: {  	[dreg:$0x1] =	wrdreg $0xFFFFFFFF  }
0xc1: {  	_ =	task.clear_ibuf [dreg:s7], $0x2FFFF;
	_ =	strace $0x9FFFFFFF  }
0xc2: {  	(tm) =	ssettm $0x7FFFFFFF  }
0xc3: {  	_ =	shalt  }
tec
execute0_lowered:
.L_overlay_start_1:
0x0: {  	(tag) =	ssettag $0x1  }
0x1: {  	s0 =	srdreg.scid  }
0x2: {  	s4 =	stileid.u32;
	s1 =	rddreg [dreg:$0x0]  }
0x3: {  	s5 =	rddreg [dreg:$0x1];
	s11 =	simm.s32 $0x9;
	s13 =	simm.s32 $0x5D00  }
0x4: {  	s14 =	simm.s32 $0x8F00;
	s15 =	simm.s32 $0xC100;
	s16 =	simm.s32 $0xF300  }
0x5: {  	s17 =	simm.s32 $0x60;
	s19 =	simm.s32 $0x58;
	s21 =	simm.s32 $0x9300  }
0x6: {  	s23 =	simm.s32 $0xAB00;
	s24 =	simm.s32 $0x1;
	s28 =	simm.s32 $0x2  }
0x7: {  	s29 =	simm.s32 $0xF700;
	s30 =	simm.s32 $0x10F00;
	s31 =	simm.s32 $0x3  }
0x8: {  	s10 =	simm.s32 $0x6;
	s12 =	simm.s32 $0x7;
	s18 =	simm.s32 $0x8  }
0x9: {  	s20 =	simm.s32 $0x0;
	s0 =	sand.u32 $0x1, s0;
	s2 =	sshll.u32 s4, $0x8  }
0xa: {  	s9 =	smul.u32 $0x64000, s4;
	s4 =	sadd.s32 $0x800, s1;
	s3 =	sshll.u32 s0, $0x7  }
0xb: {  	s7 =	ssub.s32 $0x2, s0;
	s0 =	smul.u32 $0x32000, s0;
	s3 =	sor.u32 s3, s2  }
0xc: {  	s2 =	simm.s32 $0x0;
	s8 =	sshrl.u32 s7, $0x1;
	s25 =	sadd.s32 s9, s5  }
0xd: {  	s3 =	smul.u32 $0x19, s3;
	[smem:$0x7FF] =	sst s2;
	s7 =	ssub.s32 s7, s8  }
.Ltmp0:
0xe: {  	s0 =	sadd.s32 s0, s25;
	_ =	strace $0x80000047;
	(pc) =	sbr.rel .LBB2_1-.Ltmp0, $4  }
0xf: {  	s26 =	smax.u32 s7, $0x1;
	[dreg:$0x6] =	wrdreg s0;
	s6 =	sadd.s32 s3, s1  }
0x10: {  	s3 =	sadd.s32 $0x19A00, s1;
	s1 =	sadd.s32 $0x880, s1;
	[dreg:$0x5] =	wrdreg s26  }
0x11: {  	s25 =	simm.s32 $0xC500;
	s6 =	sadd.s32 $0xA02, s6;
	[dreg:$0x4] =	wrdreg s1  }
0x12: {  	s26 =	simm.s32 $0xDD00;
	s1 =	simm.s32 $0x4;
	[dreg:$0x3] =	wrdreg s6  }
.LBB2_4:
0x13: {  	s0 =	simm.s32 $0x5  }
0x14: {  	_ =	swait.ge [sflag:s0], $0x3200  }
0x15: {  	[sflag:s0] =	ssyncset.done $0x0  }
0x16: {  	[sflag:s0] =	ssyncadd.s32 $0xFFFFCE00  }
0x17: {  	_ =	swait.ge [sflag:s10], $0x3200  }
0x18: {  	[sflag:s10] =	ssyncset.done $0x0  }
0x19: {  	[sflag:s10] =	ssyncadd.s32 $0xFFFFCE00  }
0x1a: {  	_ =	swait.ge [sflag:s12], $0x3200  }
0x1b: {  	[sflag:s12] =	ssyncset.done $0x0  }
0x1c: {  	[sflag:s12] =	ssyncadd.s32 $0xFFFFCE00  }
0x1d: {  	_ =	swait.ge [sflag:s18], $0x3200  }
0x1e: {  	s20 =	sadd.s32 $0x1, s20;
	s22 =	rddreg [dreg:$0x5]  }
0x1f: {  	p0 =	sne.s32 s20, s22  }
.Ltmp1:
0x20: {  	_ = 	snop;
	(pc) =	sbr.rel @!p0 .LBB2_5-.Ltmp1, $3  }
0x21: {  	_ =	sdelay $0x1  }
0x22: {  	[sflag:s18] =	ssyncset.done $0x0  }
0x23: {  	[sflag:s18] =	ssyncadd.s32 $0xFFFFCE00  }
.LBB2_1:
0x24: {  	s0 =	rddreg [dreg:$0x3];
	s5 =	simm.s32 $0xB8;
	s6 =	simm.s32 $0xC8  }
0x25: {  	[tilespmem:s2], [sflag:$0x9] =	stream.strided.gather [hbm4b:s0+s5], $0x5C00, s6, s5, $0x38;
	[tilespmem:$0x12500] =	vst v63  }
0x26: {  	_ =	swait.ge [sflag:s11], $0x5C00  }
0x27: {  	[sflag:s11] =	ssyncset.done $0x0  }
0x28: {  	s7 =	simm.s32 $0x5C00;
	s6 =	rddreg [dreg:$0x4];
	[sflag:s11] =	ssyncadd.s32 $0xFFFFA400  }
0x29: {  	[tilespmem:s7], [sflag:$0x9] =	stream.linear.gather [hbm4b:s6+s2], $0x100, $0x38;
	[tilespmem:$0x12500] =	vst v63  }
0x2a: {  	_ =	swait.ge [sflag:s11], $0x100  }
0x2b: {  	[sflag:s11] =	ssyncset.done $0x0  }
0x2c: {  	[sflag:s11] =	ssyncadd.s32 $0xFFFFFF00  }
0x2d: {  	v0 =	vld [tilespmem:$0x5C00]  }
0x2e: {  	v1 =	vld [tilespmem:$0x5C10]  }
0x2f: {  	v2 =	vld [tilespmem:$0x5C20]  }
0x30: {  	v3 =	vld [tilespmem:$0x5C30]  }
0x31: {  	v4 =	vld [tilespmem:$0x5C40]  }
0x32: {  	v5 =	vld [tilespmem:$0x5C50]  }
0x33: {  	v6 =	vld [tilespmem:$0x5C60]  }
0x34: {  	v7 =	vld [tilespmem:$0x5C70]  }
0x35: {  	v8 =	vld [tilespmem:$0x5C80]  }
0x36: {  	v9 =	vld [tilespmem:$0x5C90]  }
0x37: {  	v10 =	vld [tilespmem:$0x5CA0]  }
0x38: {  	v11 =	vld [tilespmem:$0x5CB0]  }
0x39: {  	v12 =	vld [tilespmem:$0x5CC0]  }
0x3a: {  	v13 =	vld [tilespmem:$0x5CD0]  }
0x3b: {  	v14 =	vld [tilespmem:$0x5CE0]  }
0x3c: {  	v15 =	vld [tilespmem:$0x5CF0];
	[tilespmem:s13], [sflag:$0x9] =	stream.linear.gather [hbm4b:s4+s2], $0x400, $0x38  }
0x3d: {  	_ =	swait.ge [sflag:s11], $0x400  }
0x3e: {  	[sflag:s11] =	ssyncset.done $0x0  }
0x3f: {  	[sflag:s11] =	ssyncadd.s32 $0xFFFFFC00  }
0x40: {  	[tilespmem:s14], [sflag:$0x9] =	stream.linear.gather [hbm4b:s4+s2], $0x400, $0x38;
	[tilespmem:$0x12500] =	vst v63  }
0x41: {  	_ =	swait.ge [sflag:s11], $0x400  }
0x42: {  	[sflag:s11] =	ssyncset.done $0x0  }
0x43: {  	[sflag:s11] =	ssyncadd.s32 $0xFFFFFC00  }
0x44: {  	[tilespmem:s15], [sflag:$0x9] =	stream.linear.gather [hbm4b:s4+s2], $0x400, $0x38;
	[tilespmem:$0x12500] =	vst v63  }
0x45: {  	_ =	swait.ge [sflag:s11], $0x400  }
0x46: {  	[sflag:s11] =	ssyncset.done $0x0  }
0x47: {  	[sflag:s11] =	ssyncadd.s32 $0xFFFFFC00  }
0x48: {  	[tilespmem:s16], [sflag:$0x9] =	stream.linear.gather [hbm4b:s4+s2], $0x400, $0x38;
	[tilespmem:$0x12500] =	vst v63  }
0x49: {  	_ =	swait.ge [sflag:s11], $0x400  }
0x4a: {  	[sflag:s11] =	ssyncset.done $0x0  }
0x4b: {  	s8 =	simm.s32 $0x6100;
	[sflag:s11] =	ssyncadd.s32 $0xFFFFFC00  }
0x4c: {  	[tilespmem:s8], [sflag:$0x1] =	stream.indirect.gather [hbm4b:s3+s17], $0x40, s2, s17, $0xb8;
	[tilespmem:$0x12500] =	vst v63  }
0x4d: {  	s9 =	simm.s32 $0x7900  }
0x4e: {  	[tilespmem:s9], [sflag:$0x1] =	stream.indirect.gather [hbm4b:s3+s19], $0x40, s17, s19, $0xb8;
	[tilespmem:$0x12500] =	vst v63  }
0x4f: {  	_ = 	snop  }
0x50: {  	[tilespmem:s21], [sflag:$0x2] =	stream.indirect.gather [hbm4b:s3+s17], $0x40, s5, s17, $0xb8;
	[tilespmem:$0x12500] =	vst v63  }
0x51: {  	s22 =	simm.s32 $0x118;
	s8 =	rddreg [dreg:$0x6];
	s5 =	simm.s32 $0x0  }
0x52: {  	[tilespmem:s23], [sflag:$0x2] =	stream.indirect.gather [hbm4b:s3+s19], $0x40, s22, s19, $0xb8;
	[tilespmem:$0x12500] =	vst v63  }
.LBB2_2:
0x53: {  	_ =	swait.ge [sflag:s24], $0x1800  }
0x54: {  	[sflag:s24] =	ssyncset.done $0x0  }
0x55: {  	[sflag:s24] =	ssyncadd.s32 $0xFFFFE800  }
0x56: {  	_ =	swait.ge [sflag:s24], $0x1600  }
0x57: {  	[sflag:s24] =	ssyncset.done $0x0  }
0x58: {  	[sflag:s24] =	ssyncadd.s32 $0xFFFFEA00  }
0x59: {  	[tilespmem:$0x6100] =	vst v0  }
0x5a: {  	[tilespmem:$0x6110] =	vst v1  }
0x5b: {  	[tilespmem:$0x6120] =	vst v2  }
0x5c: {  	[tilespmem:$0x6130] =	vst v3  }
0x5d: {  	[tilespmem:$0x6140] =	vst v4  }
0x5e: {  	[tilespmem:$0x6150] =	vst v5  }
0x5f: {  	[tilespmem:$0x6160] =	vst v6  }
0x60: {  	[tilespmem:$0x6170] =	vst v7  }
0x61: {  	[tilespmem:$0x6180] =	vst v8  }
0x62: {  	[tilespmem:$0x6190] =	vst v9  }
0x63: {  	[tilespmem:$0x61A0] =	vst v10  }
0x64: {  	[tilespmem:$0x61B0] =	vst v11  }
0x65: {  	[tilespmem:$0x61C0] =	vst v12  }
0x66: {  	[tilespmem:$0x61D0] =	vst v13  }
0x67: {  	p0 =	seq.s32 s5, $0x0;
	[tilespmem:$0x61E0] =	vst v14  }
0x68: {  	s9 =	simm.s32 @!p0 $0x7;
	[tilespmem:$0x61F0] =	vst v15  }
0x69: {  	[hbm4b:s8+s2] =	stream.linear.scatter [tilespmem:s13], [sflag:$0x5], $0x3200, $0x38;
	[tilespmem:$0x12500] =	vst v63  }
0x6a: {  	_ =	swait.ge @!p0 [sflag:s9], $0x3200  }
0x6b: {  	s6 =	sshra.s32 s5, $0x2;
	[sflag:s9] =	ssyncset.done @!p0 $0x0  }
0x6c: {  	s22 =	sadd.s32 $0x170, s6;
	[sflag:s9] =	ssyncadd.s32 @!p0 $0xFFFFCE00  }
0x6d: {  	[tilespmem:s25], [sflag:$0x3] =	stream.indirect.gather [hbm4b:s3+s17], $0x40, s22, s17, $0xb8;
	[tilespmem:$0x12500] =	vst v63  }
0x6e: {  	s0 =	sadd.s32 $0x1D0, s6  }
0x6f: {  	[tilespmem:s26], [sflag:$0x3] =	stream.indirect.gather [hbm4b:s3+s19], $0x40, s0, s19, $0xb8;
	[tilespmem:$0x12500] =	vst v63  }
0x70: {  	_ =	swait.ge [sflag:s28], $0x1800  }
0x71: {  	[sflag:s28] =	ssyncset.done $0x0  }
0x72: {  	[sflag:s28] =	ssyncadd.s32 $0xFFFFE800  }
0x73: {  	_ =	swait.ge [sflag:s28], $0x1600  }
0x74: {  	[sflag:s28] =	ssyncset.done $0x0  }
0x75: {  	[sflag:s28] =	ssyncadd.s32 $0xFFFFEA00  }
0x76: {  	[tilespmem:$0x9300] =	vst v0  }
0x77: {  	[tilespmem:$0x9310] =	vst v1  }
0x78: {  	[tilespmem:$0x9320] =	vst v2  }
0x79: {  	[tilespmem:$0x9330] =	vst v3  }
0x7a: {  	[tilespmem:$0x9340] =	vst v4  }
0x7b: {  	[tilespmem:$0x9350] =	vst v5  }
0x7c: {  	[tilespmem:$0x9360] =	vst v6  }
0x7d: {  	[tilespmem:$0x9370] =	vst v7  }
0x7e: {  	[tilespmem:$0x9380] =	vst v8  }
0x7f: {  	[tilespmem:$0x9390] =	vst v9  }
0x80: {  	[tilespmem:$0x93A0] =	vst v10  }
0x81: {  	[tilespmem:$0x93B0] =	vst v11  }
0x82: {  	[tilespmem:$0x93C0] =	vst v12  }
0x83: {  	[tilespmem:$0x93D0] =	vst v13  }
0x84: {  	[tilespmem:$0x93E0] =	vst v14  }
0x85: {  	s7 =	sadd.s32 $0x640, s8;
	s9 =	simm.s32 @!p0 $0x8;
	[tilespmem:$0x93F0] =	vst v15  }
0x86: {  	[hbm4b:s7+s2] =	stream.linear.scatter [tilespmem:s14], [sflag:$0x6], $0x3200, $0x38;
	[tilespmem:$0x12500] =	vst v63  }
0x87: {  	_ =	swait.ge @!p0 [sflag:s9], $0x3200  }
0x88: {  	[sflag:s9] =	ssyncset.done @!p0 $0x0  }
0x89: {  	s22 =	sadd.s32 $0x228, s6;
	[sflag:s9] =	ssyncadd.s32 @!p0 $0xFFFFCE00  }
0x8a: {  	[tilespmem:s29], [sflag:$0x4] =	stream.indirect.gather [hbm4b:s3+s17], $0x40, s22, s17, $0xb8;
	[tilespmem:$0x12500] =	vst v63  }
0x8b: {  	s0 =	sadd.s32 $0x288, s6  }
0x8c: {  	[tilespmem:s30], [sflag:$0x4] =	stream.indirect.gather [hbm4b:s3+s19], $0x40, s0, s19, $0xb8;
	[tilespmem:$0x12500] =	vst v63  }
0x8d: {  	_ =	swait.ge [sflag:s31], $0x1800  }
0x8e: {  	[sflag:s31] =	ssyncset.done $0x0  }
0x8f: {  	[sflag:s31] =	ssyncadd.s32 $0xFFFFE800  }
0x90: {  	_ =	swait.ge [sflag:s31], $0x1600  }
0x91: {  	[sflag:s31] =	ssyncset.done $0x0  }
0x92: {  	[sflag:s31] =	ssyncadd.s32 $0xFFFFEA00  }
0x93: {  	[tilespmem:$0xC500] =	vst v0  }
0x94: {  	[tilespmem:$0xC510] =	vst v1  }
0x95: {  	[tilespmem:$0xC520] =	vst v2  }
0x96: {  	[tilespmem:$0xC530] =	vst v3  }
0x97: {  	[tilespmem:$0xC540] =	vst v4  }
0x98: {  	[tilespmem:$0xC550] =	vst v5  }
0x99: {  	[tilespmem:$0xC560] =	vst v6  }
0x9a: {  	[tilespmem:$0xC570] =	vst v7  }
0x9b: {  	[tilespmem:$0xC580] =	vst v8  }
0x9c: {  	[tilespmem:$0xC590] =	vst v9  }
0x9d: {  	[tilespmem:$0xC5A0] =	vst v10  }
0x9e: {  	[tilespmem:$0xC5B0] =	vst v11  }
0x9f: {  	[tilespmem:$0xC5C0] =	vst v12  }
0xa0: {  	[tilespmem:$0xC5D0] =	vst v13  }
0xa1: {  	p0 =	seq.s32 s5, $0x16480;
	[tilespmem:$0xC5E0] =	vst v14  }
0xa2: {  	s7 =	sadd.s32 $0xC80, s8;
	s9 =	simm.s32 @!p0 $0x5;
	[tilespmem:$0xC5F0] =	vst v15  }
0xa3: {  	[hbm4b:s7+s2] =	stream.linear.scatter [tilespmem:s15], [sflag:$0x7], $0x3200, $0x38;
	[tilespmem:$0x12500] =	vst v63  }
0xa4: {  	_ =	swait.ge @!p0 [sflag:s9], $0x3200  }
0xa5: {  	[sflag:s9] =	ssyncset.done @!p0 $0x0  }
0xa6: {  	[sflag:s9] =	ssyncadd.s32 @!p0 $0xFFFFCE00;
	s9 =	sshra.s32 @!p0 s5, $0x2  }
0xa7: {  	s22 =	simm.s32 @!p0 $0x60;
	s0 =	simm.s32 @!p0 $0x6100;
	s7 =	sadd.s32 @!p0 $0x2E0, s9  }
0xa8: {  	[tilespmem:s0], [sflag:$0x1] =	stream.indirect.gather @!p0 [hbm4b:s3+s22], $0x40, s7, s22, $0xb8;
	[tilespmem:$0x12500] =	vst v63  }
0xa9: {  	s0 =	sadd.s32 @!p0 $0x340, s9;
	s7 =	simm.s32 @!p0 $0x58;
	s9 =	simm.s32 @!p0 $0x7900  }
0xaa: {  	[tilespmem:s9], [sflag:$0x1] =	stream.indirect.gather @!p0 [hbm4b:s3+s7], $0x40, s0, s7, $0xb8;
	[tilespmem:$0x12500] =	vst v63  }
0xab: {  	_ =	swait.ge [sflag:s1], $0x1800  }
0xac: {  	[sflag:s1] =	ssyncset.done $0x0  }
0xad: {  	[sflag:s1] =	ssyncadd.s32 $0xFFFFE800  }
0xae: {  	_ =	swait.ge [sflag:s1], $0x1600  }
0xaf: {  	[sflag:s1] =	ssyncset.done $0x0  }
0xb0: {  	[sflag:s1] =	ssyncadd.s32 $0xFFFFEA00  }
0xb1: {  	[tilespmem:$0xF700] =	vst v0  }
0xb2: {  	[tilespmem:$0xF710] =	vst v1  }
0xb3: {  	[tilespmem:$0xF720] =	vst v2  }
0xb4: {  	[tilespmem:$0xF730] =	vst v3  }
0xb5: {  	[tilespmem:$0xF740] =	vst v4  }
0xb6: {  	[tilespmem:$0xF750] =	vst v5  }
0xb7: {  	[tilespmem:$0xF760] =	vst v6  }
0xb8: {  	[tilespmem:$0xF770] =	vst v7  }
0xb9: {  	[tilespmem:$0xF780] =	vst v8  }
0xba: {  	[tilespmem:$0xF790] =	vst v9  }
0xbb: {  	[tilespmem:$0xF7A0] =	vst v10  }
0xbc: {  	[tilespmem:$0xF7B0] =	vst v11  }
.Ltmp2:
0xbd: {  	[tilespmem:$0xF7C0] =	vst v12;
	(pc) =	sbr.rel @p0 .LBB2_4-.Ltmp2, $4  }
0xbe: {  	[tilespmem:$0xF7D0] =	vst v13  }
0xbf: {  	[tilespmem:$0xF7E0] =	vst v14  }
0xc0: {  	s22 =	sadd.s32 $0x12C0, s8;
	[tilespmem:$0xF7F0] =	vst v15  }
0xc1: {  	[hbm4b:s22+s2] =	stream.linear.scatter [tilespmem:s16], [sflag:$0x8], $0x3200, $0x38;
	[tilespmem:$0x12500] =	vst v63  }
0xc2: {  	_ =	swait.ge [sflag:s10], $0x3200  }
.Ltmp3:
0xc3: {  	[sflag:s10] =	ssyncset.done $0x0;
	(pc) =	sbr.rel .LBB2_2-.Ltmp3, $4  }
0xc4: {  	s0 =	sadd.s32 $0x398, s6;
	[sflag:s10] =	ssyncadd.s32 $0xFFFFCE00  }
0xc5: {  	[tilespmem:s21], [sflag:$0x2] =	stream.indirect.gather [hbm4b:s3+s17], $0x40, s0, s17, $0xb8;
	[tilespmem:$0x12500] =	vst v63  }
0xc6: {  	s22 =	sadd.s32 $0x3F8, s6;
	s5 =	sadd.s32 $0xB80, s5;
	s8 =	sadd.s32 $0x1900, s8  }
0xc7: {  	[tilespmem:s23], [sflag:$0x2] =	stream.indirect.gather [hbm4b:s3+s19], $0x40, s22, s19, $0xb8;
	[tilespmem:$0x12500] =	vst v63  }
.LBB2_5:
0xc8: {  	_ =	sfence.sel $0x180000  }
0xc9: {  	[bflag:$0x0] =	sbarrier.arrive $0xFFFF  }
0xca: {  	_ =	strace $0x90000047  }
0xcb: {  	s0 =	stileid.u32;
	[bflag:$0x2] =	sbarrier.arrive $0xFFFF  }
0xcc: {  	p0 =	sne.s32 s0, $0x0;
	s0 =	rddreg [dreg:$0x2]  }
0xcd: {  	s0 =	sadd.s32 @!p0 $0x100000, s0  }
0xce: {  	[sflag:s0] =	ssyncadd.tile.s32 @!p0 $0x1;
	_ =	shalt  }
.Lfunc_end2:
_tile_overlayer_lowered:
.L_overlay_start_2:
0xcf: {  	(tag) =	ssettag $0x2  }
0xd0: {  	s0 =	rddreg [dreg:$0x0];
	s2 =	stileid.u32  }
0xd1: {  	s1 =	rddreg [dreg:$0x1];
	p0 =	sne.s32 s2, $0x0  }
0xd2: {  	s3 =	rddreg [dreg:$0x2];
	[bflag:$0x3] =	sbarrier.arrive $0xFFFF;
	s2 =	simm.s32 @!p0 $0x1C09  }
0xd3: {  	[timem:s3], [sflag:s2] =	dma.local @!p0 [hbm:s0], s1  }
0xd4: {  	s0 =	simm.s32 @!p0 $0x9  }
0xd5: {  	_ =	swait.ge @!p0 [sflag:s0], s1  }
0xd6: {  	s1 =	ssub.s32 @!p0 $0x0, s1;
	[sflag:s0] =	ssyncset.done @!p0 $0x0  }
0xd7: {  	[sflag:s0] =	ssyncadd.s32 @!p0 s1  }
0xd8: {  	[bflag:$0x3] =	sbarrier.arrive $0xFFFF  }
0xd9: {  	_ =	shalt  }

// kernel: sparse-core-data-format-call.cloned.1.call-start
scs
called_computation_lowered:
.L_overlay_start_0:
0x0: {  	s2 =	sld [smem:$0x3FD9]  }
0x1: {  	s3 =	sld [smem:$0x3FFE];
	_ =	sdelay $0x1  }
0x2: {  	s1 =	srdreg.scid  }
0x3: {  	s0 =	sand.u32 $0x1, s1  }
0x4: {  	s18 =	sshll.u32 s0, $0xA;
	s2 =	sadd.s32 s3, s2  }
0x5: {  	s2 =	sadd.s32 s2, s18  }
0x6: {  	[smem:$0x3FC5] =	sst s2  }
0x7: {  	_ = 	snop  }
0x8: {  	s2 =	sld [smem:$0x3FD0];
	(tm) =	ssettm $0x1  }
0x9: {  	s19 =	sld [smem:$0x3FFB];
	_ =	sdelay $0x3  }
0xa: {  	_ =	strace s19  }
0xb: {  	s3 =	sld [smem:$0x3FFC];
	_ =	sdelay $0x3  }
0xc: {  	_ =	strace s3  }
0xd: {  	s3 =	sld [smem:$0x3FFD];
	_ =	sdelay $0x3  }
0xe: {  	_ =	strace s3  }
0xf: {  	_ =	strace $0x8FFFFFFF  }
0x10: {  	s20 =	sld [smem:$0x3FDB];
	_ =	sdelay $0x1  }
0x11: {  	s4 =	simm.s32 $_scs_section_size  }
0x12: {  	s5 =	simm.s32 $_size__tile_overlayer_lowered;
	s6 =	simm.s32 $_tile_overlayer_lowered  }
0x13: {  	s23 =	simm.s32 $0x1BFF;
	s22 =	sshll.u32 s6, $0x1;
	s3 =	sadd.s32 s4, s20  }
0x14: {  	s7 =	simm.s32 $0x0;
	s21 =	sshll.u32 s5, $0x1;
	s5 =	sadd.s32 s22, s3  }
0x15: {  	[timem:s7], [sflag:s23] =	dma.local [hbm:s5], s21  }
0x16: {  	_ =	swait.ge [sflag:s23], s21  }
0x17: {  	s4 =	ssub.s32 $0x0, s21;
	[sflag:s23] =	ssyncset.done $0x0  }
0x18: {  	[sflag:s23] =	ssyncadd.s32 s4;
	_ =	sdelay $0x1  }
0x19: {  	s24 =	simm.s32 $0x1B8B  }
0x1a: {  	_ =	swait.ge [sflag:s24], $0x1  }
0x1b: {  	[sflag:s24] =	ssyncset.done $0x0  }
0x1c: {  	s26 =	simm.s32 $0x1B8E;
	s25 =	sld [smem:$0x3FFE];
	[sflag:s24] =	ssyncadd.s32 $0xFFFFFFFF  }
0x1d: {  	s27 =	simm.s32 $execute0_lowered;
	[smem:$0x3FD2] =	sst s26  }
0x1e: {  	s5 =	sshll.u32 s27, $0x1;
	_ =	strace $0x80000049;
	[dreg:$0x1] =	wrdreg $0xFFFFFFFF  }
0x1f: {  	s28 =	simm.s32 $_size_execute0_lowered;
	s3 =	sadd.s32 s3, s5;
	[dreg:$0x0] =	wrdreg $0x0  }
0x20: {  	s5 =	sshll.u32 s28, $0x1;
	[dreg:$0x2] =	wrdreg s3  }
0x21: {  	[dreg:$0x3] =	wrdreg s5  }
0x22: {  	[dreg:$0x4] =	wrdreg $0xC0  }
0x23: {  	_ =	task [dreg:s7], $0x5FFFF  }
0x24: {  	[dreg:$0x1] =	wrdreg $0xFFFFFFFF  }
0x25: {  	[dreg:$0x0] =	wrdreg $0x60  }
0x26: {  	[dreg:$0x2] =	wrdreg s25  }
0x27: {  	[dreg:$0x3] =	wrdreg s2  }
0x28: {  	[dreg:$0x4] =	wrdreg $0x9  }
0x29: {  	_ =	task.clear_ibuf [dreg:s7], $0x5FFFF;
	_ =	strace $0x90000049  }
0x2a: {  	s29 =	simm.s32 $0x9;
	_ =	strace $0x8000004B  }
0x2b: {  	_ =	swait.ge [sflag:s29], $0x1  }
0x2c: {  	[sflag:s29] =	ssyncadd.s32 $0xFFFFFFFF  }
0x2d: {  	_ =	strace $0x9000004B  }
0x2e: {  	_ =	sfence  }
0x2f: {  	s30 =	sld [smem:$0x0];
	_ =	sdelay $0x2  }
0x30: {  	s31 =	sshll.u32 s1, $0xD;
	s1 =	sshrl.u32 s1, $0x2  }
0x31: {  	s3 =	sand.u32 $0x4000, s31;
	s1 =	sadd.s32 s1, s30  }
0x32: {  	s0 =	sor.u32 s3, s0;
	s1 =	sshll.u32 s1, $0x11  }
0x33: {  	s0 =	sor.u32 s1, s0  }
0x34: {  	s0 =	sadd.s32 $0x8F2B, s0  }
0x35: {  	[sflag:s0] =	ssyncadd.remote.s32 $0x1  }
0x36: {  	_ =	sfence.sel $0xFFFF  }
0x37: {  	[dreg:$0x0] =	wrdreg $0xFFFFFFFF;
	(pc) =	sbr.abs _section_cstart, $3  }
0x38: {  	[dreg:$0x1] =	wrdreg $0xFFFFFFFF  }
0x39: {  	_ =	task.clear_ibuf [dreg:s7], $0x2FFFF;
	_ =	strace $0x9FFFFFFF  }
0x3a: {  	(tm) =	ssettm $0x7FFFFFFF  }
0x3b: {  	_ =	shalt  }
tec
execute0_lowered:
.L_overlay_start_1:
0x0: {  	(tag) =	ssettag $0x1  }
0x1: {  	s0 =	srdreg.scid  }
0x2: {  	s1 =	sshll.u32 s0, $0x4  }
0x3: {  	s0 =	stileid.u32;
	s1 =	sand.u32 $0x10, s1  }
0x4: {  	s1 =	sor.u32 s0, s1  }
0x5: {  	s6 =	rddreg [dreg:$0x0];
	s4 =	simm.s32 $0x1;
	s2 =	sshll.u32 s1, $0x7  }
0x6: {  	s7 =	simm.s32 $0x2;
	s12 =	simm.s32 $0x0;
	s1 =	ssub.s32 $0x1000, s2  }
0x7: {  	s8 =	simm.s32 $0x8000;
	s13 =	simm.s32 $0x0;
	s3 =	sand.u32 $0xF80, s1  }
0x8: {  	s9 =	simm.s32 $0x0;
	s5 =	sshrl.u32 s1, $0xC;
	p0 =	sne.s32 s3, $0x0  }
.Ltmp0:
0x9: {  	s1 =	rddreg [dreg:$0x2];
	s4 =	simm.s32 @!p0 $0x0;
	(pc) =	sbr.rel .LBB1_1-.Ltmp0, $4  }
0xa: {  	s11 =	simm.s32 $0x0;
	s3 =	rddreg [dreg:$0x1];
	s5 =	sadd.s32 s4, s5  }
0xb: {  	_ =	strace $0x8000004A;
	s4 =	simm.s32 $0x1;
	s5 =	smul.u32 $0xC8, s5  }
0xc: {  	s6 =	sadd.s32 $0x800, s6;
	s10 =	smov.u32 s2;
	[sflag:s4] =	ssyncpa.u1 $0x0  }
0xd: {  	p0 =	por $0x0, $0x0;
	[sflag:s7] =	ssyncpa.u1 $0x0;
	s7 =	sor.u32 $0x1, s5  }
.LBB1_4:
0xe: {  	s16 =	sshll.u32 s13, $0x3;
	s17 =	sand.u32 $0x78, s13  }
0xf: {  	s30 =	sand.u32 $0x7E00, s13;
	s12 =	sshll.u32 s12, $0xF;
	s16 =	sand.u32 $0xC00, s16  }
0x10: {  	[tilespmem:s15+$0x810 ss:$0x81] =	vst.msk $0xffff, v2;
	s31 =	sand.u32 $0x7, s13;
	s16 =	sor.u32 s17, s16;
	s17 =	sadd.s32 s3, s30  }
0x11: {  	[tilespmem:s15+$0x1020 ss:$0x81] =	vst.msk $0xffff, v0;
	s13 =	sshll.u32 s31, $0x12;
	s12 =	sadd.s32 s12, s17;
	s16 =	sshrl.u32 s16, $0x3  }
0x12: {  	[tilespmem:s15+$0x0 ss:$0x81] =	vst.msk $0xffff, v1;
	s13 =	sor.u32 $0x400, s13;
	s12 =	sadd.s32 s16, s12  }
0x13: {  	[hbm4b:s12+s13] =	stream.strided.scatter [tilespmem:s14], [sflag:$0x2], $0x2000, s8, s13, $0x20;
	[tilespmem:$0x8080] =	vst v63  }
.LBB1_5:
0x14: {  	s14 =	sadd.s32 $0x1, s9  }
0x15: {  	s12 =	sadd.s32 $0x1000, s10;
	s16 =	smov.u32 s10;
	p2 =	sgt.s32 s14, $0xC7  }
0x16: {  	s16 =	smov.u32 @p2 s12  }
0x17: {  	s14 =	simm.s32 @p2 $0x0;
	p2 =	sgt.s32 s16, $0xFFF  }
0x18: {  	s16 =	smov.u32 @p2 s2;
	p2 =	sne.s32 s11, s7  }
.Ltmp1:
0x19: {  	p1 =	slt.u32 s11, $0x2;
	(pc) =	sbr.rel @!p2 .LBB1_6-.Ltmp1, $4  }
0x1a: {  	s15 =	simm.s32 @!p1 $0x2  }
0x1b: {  	s13 =	smov.u32 s10;
	p0 =	por !p0, !p0;
	_ =	swait.ge @!p1 [sflag:s15], $0x2000  }
0x1c: {  	s12 =	smov.u32 s9;
	[sflag:s15] =	ssyncset.done @!p1 $0x0;
	s9 =	smov.u32 s14  }
0x1d: {  	s11 =	sadd.s32 $0x1, s11;
	[sflag:s15] =	ssyncadd.s32 @!p1 $0xFFFFE000;
	s10 =	smov.u32 s16  }
.LBB1_1:
0x1e: {  	p1 =	sge.u32 s11, s5  }
0x1f: {  	s14 =	sand.u32 @!p1 $0x1FFFFFF, s9  }
0x20: {  	s15 =	smulhi.u32 @!p1 $0x147AE15, s14;
	_ =	sdelay $0x1  }
0x21: {  	s15 =	smul.u32 @!p1 $0xC8, s15  }
0x22: {  	s16 =	sxor.u32 @!p1 $0xFFFFFFFF, s11;
	s17 =	smul.u32 @!p1 $0xC80, s10  }
0x23: {  	s31 =	sadd.s32 $0xFFFFFFFF, s11;
	s16 =	sshll.u32 @!p1 s16, $0xD;
	s14 =	ssub.s32 @!p1 s14, s15  }
0x24: {  	s15 =	sand.u32 @!p1 $0x2000, s16;
	s16 =	sadd.s32 @!p1 s6, s17;
	s14 =	sshll.u32 @!p1 s14, $0x4  }
0x25: {  	s17 =	simm.s32 @!p1 $0x6400;
	s14 =	sadd.s32 @!p1 s14, s16;
	s16 =	simm.s32 @!p1 $0x40  }
0x26: {  	[tilespmem:s15], [sflag:$0x1] =	stream.strided.gather @!p1 [hbm4b:s14+s16], $0x2000, s17, s16, $0x38;
	[tilespmem:$0x8080] =	vst v63  }
0x27: {  	p1 =	sge.u32 s31, s5  }
.Ltmp2:
0x28: {  	_ = 	snop;
	(pc) =	sbr.rel @p1 .LBB1_5-.Ltmp2, $1  }
0x29: {  	_ =	sdelay $0x3  }
0x2a: {  	s14 =	simm.s32 $0x1  }
0x2b: {  	_ =	swait.ge [sflag:s4], $0x2000;
	s14 =	simm.s32 @!p0 $0x0  }
0x2c: {  	[sflag:s4] =	ssyncset.done $0x0;
	s15 =	sshll.u32 s14, $0xD  }
0x2d: {  	[sflag:s4] =	ssyncadd.s32 $0xFFFFE000;
	s18 =	sor.u32 $0x20, s15  }
0x2e: {  	s14 =	smul.u32 $0x8100, s14;
	v3 =	vld [tilespmem:s18+$0x10]  }
0x2f: {  	s30 =	sand.u32 $0x1, s11;
	v2 =	vld [tilespmem:s18+$0xFFFFFFF0]  }
0x30: {  	s15 =	smul.u32 $0x8100, s30;
	s14 =	sshrl.u32 s14, $0x2;
	v0 =	vld [tilespmem:s18+$0x0]  }
0x31: {  	v1 =	vld [tilespmem:s18+$0xFFFFFFE0];
	s16 =	sor.u32 $0x4000, s14  }
0x32: {  	s31 =	sshrl.u32 s15, $0x2;
	s15 =	sadd.s32 $0x0, s16  }
0x33: {  	s17 =	simm.s32 $0x4;
	s18 =	sadd.s32 $0x40, s18;
	s14 =	sor.u32 $0x4000, s31;
	[tilespmem:s15+$0x1830 ss:$0x81] =	vst.msk $0xffff, v3  }
.LBB1_3:
0x34: {  	v3 =	vld [tilespmem:s18+$0x10];
	p1 =	sne.s32 s17, $0x1FC;
	[tilespmem:s15+$0x810 ss:$0x81] =	vst.msk $0xffff, v2;
	s19 =	smov.u32 s17;
	s17 =	sadd.s32 $0x4, s17  }
.Ltmp3:
0x35: {  	v2 =	vld [tilespmem:s18+$0xFFFFFFF0];
	[tilespmem:s15+$0x1020 ss:$0x81] =	vst.msk $0xffff, v0;
	(pc) =	sbr.rel @p1 .LBB1_3-.Ltmp3, $4  }
0x36: {  	v0 =	vld [tilespmem:s18+$0x0];
	[tilespmem:s15+$0x0 ss:$0x81] =	vst.msk $0xffff, v1  }
0x37: {  	s15 =	sshra.s32 s19, $0x2;
	v1 =	vld [tilespmem:s18+$0xFFFFFFE0]  }
0x38: {  	s15 =	sadd.s32 s15, s16  }
0x39: {  	s18 =	sadd.s32 $0x40, s18;
	[tilespmem:s15+$0x1830 ss:$0x81] =	vst.msk $0xffff, v3  }
.Ltmp4:
0x3a: {  	_ = 	snop;
	(pc) =	sbr.rel .LBB1_4-.Ltmp4, $1  }
0x3b: {  	_ =	sdelay $0x3  }
.LBB1_6:
0x3c: {  	_ =	sfence.sel $0x180000  }
0x3d: {  	s2 =	simm.s32 $0x1;
	[bflag:$0x0] =	sbarrier.arrive $0xFFFF  }
0x3e: {  	s31 =	simm.s32 $0x2;
	[sflag:s2] =	ssyncpa.u1 $0x1  }
0x3f: {  	[sflag:s31] =	ssyncpa.u1 $0x1  }
0x40: {  	p0 =	sne.s32 s0, $0x0;
	_ =	strace $0x9000004A  }
0x41: {  	s0 =	sadd.s32 @!p0 $0x100000, s1;
	[bflag:$0x2] =	sbarrier.arrive $0xFFFF  }
0x42: {  	[sflag:s0] =	ssyncadd.tile.s32 @!p0 $0x1;
	_ =	shalt  }
.Lfunc_end1:
_tile_overlayer_lowered:
.L_overlay_start_2:
0x43: {  	(tag) =	ssettag $0x2  }
0x44: {  	s0 =	rddreg [dreg:$0x0];
	s2 =	stileid.u32  }
0x45: {  	s1 =	rddreg [dreg:$0x1];
	p0 =	sne.s32 s2, $0x0  }
0x46: {  	s3 =	rddreg [dreg:$0x2];
	[bflag:$0x3] =	sbarrier.arrive $0xFFFF;
	s2 =	simm.s32 @!p0 $0x1C01  }
0x47: {  	[timem:s3], [sflag:s2] =	dma.local @!p0 [hbm:s0], s1  }
0x48: {  	s0 =	simm.s32 @!p0 $0x1  }
0x49: {  	_ =	swait.ge @!p0 [sflag:s0], s1  }
0x4a: {  	s1 =	ssub.s32 @!p0 $0x0, s1;
	[sflag:s0] =	ssyncset.done @!p0 $0x0  }
0x4b: {  	[sflag:s0] =	ssyncadd.s32 @!p0 s1  }
0x4c: {  	[bflag:$0x3] =	sbarrier.arrive $0xFFFF  }
0x4d: {  	_ =	shalt  }

</sc_bundles>
